<compile_context>
chip_gen: v7x
topology: tpu7x:2x2x1
jax: 0.10.2.dev20260603
libtpu: 0.0.44.dev20260713+nightly
codegen_flags: <defaults>
</compile_context>

<pallas_src>
import functools
import math

import jax
import jax.numpy as jnp
from jax import lax
from jax.experimental import pallas as pl
from jax.experimental.pallas import tpu as pltpu
from jax.experimental.pallas import tpu_sc as plsc

B = 4
S = 2048
H = 2048
D = 2048
E = 8

_TS = 256
_TH = 128
_TM = 512

_INV_SQRT2 = 1.0 / math.sqrt(2.0)

_NC = 2
_NS = 16
_NW = _NC * _NS
_LANES = 16
_ROWS_PER_W = D // _NW
_CH = 2
_NCH = _ROWS_PER_W // _CH
_NBUF = 2


def _router_body(x_ref, w_ref, b_ref, rw_ref, crep_ref, acc_ref):
    i = pl.program_id(0)

    @pl.when(i == 0)
    def _init():
        acc_ref[...] = jnp.zeros_like(acc_ref)

    acc_ref[...] += jnp.sum(x_ref[...], axis=1)

    @pl.when(i == pl.num_programs(0) - 1)
    def _finish():
        pooled = acc_ref[...] * (1.0 / S)
        logits = jnp.dot(pooled, w_ref[...], preferred_element_type=jnp.float32)
        logits = logits + b_ref[...]
        m = jnp.max(logits, axis=-1, keepdims=True)
        p = jnp.exp(logits - m)
        rw = p / jnp.sum(p, axis=-1, keepdims=True)
        rw_ref[...] = rw
        coef = jnp.sum(rw, axis=0)
        crep_ref[...] = lax.broadcast_in_dim(coef, (E, 128), (0,))


def _router(x, router_W, router_b):
    return pl.pallas_call(
        _router_body,
        grid=(S // _TS,),
        in_specs=[
            pl.BlockSpec((B, _TS, H), lambda i: (0, i, 0)),
            pl.BlockSpec((H, E), lambda i: (0, 0)),
            pl.BlockSpec((1, E), lambda i: (0, 0)),
        ],
        out_specs=[
            pl.BlockSpec((B, E), lambda i: (0, 0)),
            pl.BlockSpec((E, 128), lambda i: (0, 0)),
        ],
        out_shape=[
            jax.ShapeDtypeStruct((B, E), jnp.float32),
            jax.ShapeDtypeStruct((E, 128), jnp.float32),
        ],
        scratch_shapes=[pltpu.VMEM((B, H), jnp.float32)],
        compiler_params=pltpu.CompilerParams(
            dimension_semantics=("arbitrary",)),
    )(x, router_W, router_b.reshape(1, E))


def _merge_down_body(rw_ref, dw_ref, db_ref, wd_ref, bd_ref):
    rw = rw_ref[...]
    acc = None
    for e in range(E):
        c = jnp.sum(rw[:, e])
        t = c * dw_ref[e]
        acc = t if acc is None else acc + t
    wd_ref[...] = acc.astype(jnp.bfloat16)

    @pl.when(pl.program_id(0) == 0)
    def _bias():
        bacc = None
        for e in range(E):
            c = jnp.sum(rw[:, e])
            t = c * db_ref[e:e + 1, :]
            bacc = t if bacc is None else bacc + t
        bd_ref[...] = bacc


def _merge_down(rw, down_W, down_b):
    return pl.pallas_call(
        _merge_down_body,
        grid=(H // _TH,),
        in_specs=[
            pl.BlockSpec((B, E), lambda i: (0, 0)),
            pl.BlockSpec((E, _TH, D), lambda i: (0, i, 0)),
            pl.BlockSpec((E, D), lambda i: (0, 0)),
        ],
        out_specs=[
            pl.BlockSpec((_TH, D), lambda i: (i, 0)),
            pl.BlockSpec((1, D), lambda i: (0, 0)),
        ],
        out_shape=[
            jax.ShapeDtypeStruct((H, D), jnp.bfloat16),
            jax.ShapeDtypeStruct((1, D), jnp.float32),
        ],
        compiler_params=pltpu.CompilerParams(
            dimension_semantics=("arbitrary",)),
    )(rw, down_W, down_b)


def _merge_up_sc_body(up_hbm, crep_hbm, out_hbm, crep_v, bufs, acc, sem0, sem1):
    core = lax.axis_index("c")
    sub = lax.axis_index("s")
    wid = sub * _NC + core
    row0 = wid * _ROWS_PER_W

    pltpu.sync_copy(crep_hbm, crep_v)
    ce = [crep_v[e, pl.ds(0, _LANES)] for e in range(E)]

    def fire(ch_idx, b, sem):
        r = row0 + ch_idx * _CH
        for e in range(E):
            pltpu.async_copy(up_hbm.at[e, pl.ds(r, _CH), :], bufs.at[b, e], sem)

    def drain(b, sem):
        pltpu.make_async_copy(
            up_hbm.at[:, pl.ds(0, _CH), :], bufs.at[b], sem).wait()

    def compute_store(ch_idx, b):
        r = row0 + ch_idx * _CH
        for rr in range(_CH):
            def lane_body(j, _):
                sl = pl.ds(j * _LANES, _LANES)
                v = ce[0] * bufs[b, 0, rr, sl]
                for e in range(1, E):
                    v = v + ce[e] * bufs[b, e, rr, sl]
                acc[rr, sl] = v
                return _
            lax.fori_loop(0, H // _LANES, lane_body, 0)
        pltpu.sync_copy(acc, out_hbm.at[pl.ds(r, _CH), :])

    sems = (sem0, sem1)
    fire(0, 0, sems[0])

    def outer(c, _):
        for b in range(_NBUF):
            ch = c + b
            nxt = ch + 1

            @pl.when(nxt < _NCH)
            def _prefetch():
                fire(nxt, 1 - b, sems[1 - b])

            drain(b, sems[b])
            compute_store(ch, b)
        return _

    lax.fori_loop(0, _NCH // _NBUF, lambda i, _: outer(i * _NBUF, _), 0)


def _merge_up_sc(up_W, crep):
    mesh = plsc.VectorSubcoreMesh(core_axis_name="c", subcore_axis_name="s")
    run = functools.partial(
        pl.kernel,
        mesh=mesh,
        out_type=jax.ShapeDtypeStruct((D, H), jnp.float32),
        scratch_types=[
            pltpu.VMEM((E, 128), jnp.float32),
            pltpu.VMEM((_NBUF, E, _CH, H), jnp.float32),
            pltpu.VMEM((_CH, H), jnp.float32),
            pltpu.SemaphoreType.DMA,
            pltpu.SemaphoreType.DMA,
        ],
    )(_merge_up_sc_body)
    return run(up_W, crep)


def _mm1_body(x_ref, wd_ref, bd_ref, z_ref):
    xb = x_ref[...].astype(jnp.bfloat16)
    z = jnp.dot(xb, wd_ref[...], preferred_element_type=jnp.float32)
    z = z + bd_ref[...]
    z = 0.5 * z * (1.0 + jax.lax.erf(z * _INV_SQRT2))
    z_ref[...] = z.astype(jnp.bfloat16)


def _mm1(x2d, wd, bd):
    M = x2d.shape[0]
    return pl.pallas_call(
        _mm1_body,
        grid=(M // _TM,),
        in_specs=[
            pl.BlockSpec((_TM, H), lambda i: (i, 0)),
            pl.BlockSpec((H, D), lambda i: (0, 0)),
            pl.BlockSpec((1, D), lambda i: (0, 0)),
        ],
        out_specs=pl.BlockSpec((_TM, D), lambda i: (i, 0)),
        out_shape=jax.ShapeDtypeStruct((M, D), jnp.bfloat16),
        compiler_params=pltpu.CompilerParams(
            dimension_semantics=("arbitrary",)),
    )(x2d, wd, bd)


def _mm2_body(z_ref, wu_ref, out_ref):
    wub = wu_ref[...].astype(jnp.bfloat16)
    out_ref[...] = jnp.dot(z_ref[...], wub, preferred_element_type=jnp.float32)


def _mm2(z, wu):
    M = z.shape[0]
    return pl.pallas_call(
        _mm2_body,
        grid=(M // _TM,),
        in_specs=[
            pl.BlockSpec((_TM, D), lambda i: (i, 0)),
            pl.BlockSpec((D, H), lambda i: (0, 0)),
        ],
        out_specs=pl.BlockSpec((_TM, H), lambda i: (i, 0)),
        out_shape=jax.ShapeDtypeStruct((M, H), jnp.float32),
        compiler_params=pltpu.CompilerParams(
            dimension_semantics=("arbitrary",)),
    )(z, wu)


def kernel(x, router_W, router_b, down_W, down_b, up_W):
    rw, crep = _router(x, router_W, router_b)
    wu = _merge_up_sc(up_W, crep)
    wd, bd = _merge_down(rw, down_W, down_b)
    x2d = x.reshape(B * S, H)
    z = _mm1(x2d, wd, bd)
    out = _mm2(z, wu)
    return out.reshape(B, S, H), rw

# --- scband reference (transcript-rebuilt; emitter-appended) ---
"""Pipeline reference for scband-smear-adapter-layer-53008486367834 (READ-ONLY COPY).

The authoritative reference and input builder live on the scoring server;
editing this copy changes nothing except your own understanding.
"""

import jax, jax.numpy as jnp
import numpy as np

HIDDEN = 2048
EXPERT = 2048
NUM_EXPERTS = 8
TEMPERATURE = 1.0


def setup_inputs(seed: int = 0) -> dict:
    key = jax.random.key(seed)
    ks = jax.random.split(key, 6)
    x = jax.random.normal(ks[0], (4, 2048, HIDDEN), dtype=jnp.float32)
    # Router (SmearRouter): linear hidden_size -> num_experts
    router_W = jax.random.normal(ks[1], (HIDDEN, NUM_EXPERTS), dtype=jnp.float32) * (1.0 / np.sqrt(HIDDEN))
    router_b = jnp.zeros((NUM_EXPERTS,), dtype=jnp.float32)
    # SmearExpert params (xavier-uniform-like scale)
    lim_dw = np.sqrt(6.0 / (HIDDEN + EXPERT))
    down_W = jax.random.uniform(ks[2], (NUM_EXPERTS, HIDDEN, EXPERT), dtype=jnp.float32, minval=-lim_dw, maxval=lim_dw)
    down_b = jnp.zeros((NUM_EXPERTS, EXPERT), dtype=jnp.float32)
    lim_uw = np.sqrt(6.0 / (EXPERT + HIDDEN))
    up_W = jax.random.uniform(ks[3], (NUM_EXPERTS, EXPERT, HIDDEN), dtype=jnp.float32, minval=-lim_uw, maxval=lim_uw)
    return {"x": x, "router_W": router_W, "router_b": router_b,
            "down_W": down_W, "down_b": down_b, "up_W": up_W}


def reference(x, router_W, router_b, down_W, down_b, up_W):
    # SmearRouter: sequence-level routing (mean pool -> linear -> softmax with temperature)
    pooled = jnp.mean(x, axis=1)                              # [B, H]
    logits = pooled @ router_W + router_b                     # [B, E]
    routing_weights = jax.nn.softmax(logits / TEMPERATURE, axis=-1)  # [B, E]

    # SmearExpert.forward_parameter_merging with 2D routing weights (faithful to torch einsums,
    # which sum over the batch dim producing single merged weight matrices)
    merged_down_w = jnp.einsum('be,ehd->hd', routing_weights, down_W)  # [H, D]
    merged_down_b = jnp.einsum('be,ed->d', routing_weights, down_b)    # [D]
    merged_up_w = jnp.einsum('be,edh->dh', routing_weights, up_W)      # [D, H]

    z = jnp.matmul(x, merged_down_w) + merged_down_b          # [B, S, D]
    z = jax.nn.gelu(z, approximate=False)                     # torch nn.GELU default = exact erf
    output = jnp.matmul(z, merged_up_w)                       # [B, S, H]
    return output, routing_weights

if __name__ == "__main__":
    import jax
    _d = setup_inputs()
    print(jax.jit(kernel)(*tuple(_d.values())))

</pallas_src>

<mosaic_0001>
#map = affine_map<(d0, d1) -> (0, 0, 0)>
#map1 = affine_map<(d0, d1) -> (0, 0)>
module attributes {stable_mosaic.version = 14 : i64} {
  func.func @_merge_up_sc_body(%arg0: i32, %arg1: i32, %arg2: memref<8x2048x2048xf32, #tpu.memory_space<hbm>>, %arg3: memref<8x128xf32, #tpu.memory_space<hbm>>, %arg4: memref<2048x2048xf32, #tpu.memory_space<hbm>>, %arg5: memref<8x128xf32, #tpu.memory_space<vmem>>, %arg6: memref<2x8x2x2048xf32, #tpu.memory_space<vmem>>, %arg7: memref<2x2048xf32, #tpu.memory_space<vmem>>, %arg8: memref<!tpu.dma_semaphore, #tpu.memory_space<semaphore_mem>>, %arg9: memref<!tpu.dma_semaphore, #tpu.memory_space<semaphore_mem>>) attributes {dimension_semantics = [#tpu.dimension_semantics<core_parallel>, #tpu.dimension_semantics<subcore_parallel>], iteration_bounds = array<i64: 2, 16>, scalar_prefetch = 0 : i64, scratch_operands = 5 : i64, tpu.core_type = #tpu.core_type<sc_vector_subcore>, window_params = [{transform_indices = #map}, {transform_indices = #map1}, {transform_indices = #map1}]} {
    %mul3A = arith.constant 2 : i32
    %mul3A_0 = arith.muli %arg1, %mul3A : i32
    %add3A = arith.addi %mul3A_0, %arg0 : i32
    %mul3A_1 = arith.constant 64 : i32
    %mul3A_2 = arith.muli %add3A, %mul3A_1 : i32
    "tpu.region"() ({
      %run_scoped3A = tpu.sem_alloc : memref<!tpu.dma_semaphore, #tpu.memory_space<semaphore_mem>>
      tpu.enqueue_dma source(%arg3 : memref<8x128xf32, #tpu.memory_space<hbm>>) target(%arg5 : memref<8x128xf32, #tpu.memory_space<vmem>>) target_semaphore(%run_scoped3A : memref<!tpu.dma_semaphore, #tpu.memory_space<semaphore_mem>>)
      tpu.wait_dma2 semaphore(%run_scoped3A : memref<!tpu.dma_semaphore, #tpu.memory_space<semaphore_mem>>) src(%arg3 : memref<8x128xf32, #tpu.memory_space<hbm>>) dst(%arg5 : memref<8x128xf32, #tpu.memory_space<vmem>>)
      tpu.yield
    }) : () -> ()
    %get3A = arith.constant 0 : i32
    %get3A_3 = arith.index_cast %get3A : i32 to index
    %get3A_4 = arith.constant 0 : index
    %get3A_5 = tpu.vector_load %arg5[%get3A_3, %get3A_4] {strides = array<i32>} : memref<8x128xf32, #tpu.memory_space<vmem>>, vector<1x16xf32>,
    %get3A_6 = vector.shape_cast %get3A_5 : vector<1x16xf32> to vector<16xf32>
    %get3A_7 = arith.constant 1 : i32
    %get3A_8 = arith.index_cast %get3A_7 : i32 to index
    %get3A_9 = arith.constant 0 : index
    %get3A_10 = tpu.vector_load %arg5[%get3A_8, %get3A_9] {strides = array<i32>} : memref<8x128xf32, #tpu.memory_space<vmem>>, vector<1x16xf32>,
    %get3A_11 = vector.shape_cast %get3A_10 : vector<1x16xf32> to vector<16xf32>
    %get3A_12 = arith.constant 2 : i32
    %get3A_13 = arith.index_cast %get3A_12 : i32 to index
    %get3A_14 = arith.constant 0 : index
    %get3A_15 = tpu.vector_load %arg5[%get3A_13, %get3A_14] {strides = array<i32>} : memref<8x128xf32, #tpu.memory_space<vmem>>, vector<1x16xf32>,
    %get3A_16 = vector.shape_cast %get3A_15 : vector<1x16xf32> to vector<16xf32>
    %get3A_17 = arith.constant 3 : i32
    %get3A_18 = arith.index_cast %get3A_17 : i32 to index
    %get3A_19 = arith.constant 0 : index
    %get3A_20 = tpu.vector_load %arg5[%get3A_18, %get3A_19] {strides = array<i32>} : memref<8x128xf32, #tpu.memory_space<vmem>>, vector<1x16xf32>,
    %get3A_21 = vector.shape_cast %get3A_20 : vector<1x16xf32> to vector<16xf32>
    %get3A_22 = arith.constant 4 : i32
    %get3A_23 = arith.index_cast %get3A_22 : i32 to index
    %get3A_24 = arith.constant 0 : index
    %get3A_25 = tpu.vector_load %arg5[%get3A_23, %get3A_24] {strides = array<i32>} : memref<8x128xf32, #tpu.memory_space<vmem>>, vector<1x16xf32>,
    %get3A_26 = vector.shape_cast %get3A_25 : vector<1x16xf32> to vector<16xf32>
    %get3A_27 = arith.constant 5 : i32
    %get3A_28 = arith.index_cast %get3A_27 : i32 to index
    %get3A_29 = arith.constant 0 : index
    %get3A_30 = tpu.vector_load %arg5[%get3A_28, %get3A_29] {strides = array<i32>} : memref<8x128xf32, #tpu.memory_space<vmem>>, vector<1x16xf32>,
    %get3A_31 = vector.shape_cast %get3A_30 : vector<1x16xf32> to vector<16xf32>
    %get3A_32 = arith.constant 6 : i32
    %get3A_33 = arith.index_cast %get3A_32 : i32 to index
    %get3A_34 = arith.constant 0 : index
    %get3A_35 = tpu.vector_load %arg5[%get3A_33, %get3A_34] {strides = array<i32>} : memref<8x128xf32, #tpu.memory_space<vmem>>, vector<1x16xf32>,
    %get3A_36 = vector.shape_cast %get3A_35 : vector<1x16xf32> to vector<16xf32>
    %get3A_37 = arith.constant 7 : i32
    %get3A_38 = arith.index_cast %get3A_37 : i32 to index
    %get3A_39 = arith.constant 0 : index
    %get3A_40 = tpu.vector_load %arg5[%get3A_38, %get3A_39] {strides = array<i32>} : memref<8x128xf32, #tpu.memory_space<vmem>>, vector<1x16xf32>,
    %get3A_41 = vector.shape_cast %get3A_40 : vector<1x16xf32> to vector<16xf32>
    %add3A_42 = arith.constant 0 : i32
    %add3A_43 = arith.addi %mul3A_2, %add3A_42 : i32
    %dma_start3A = arith.constant 0 : i32
    %dma_start3A_44 = arith.constant 0 : i32
    %dma_start3A_45 = arith.constant 0 : i32
    %dma_start3A_46 = arith.constant 0 : i32
    %dma_start3A_47 = arith.constant 0 : i32
    %dma_start3A_48 = tpu.memref_slice %arg6[%dma_start3A_44, %dma_start3A_45, %dma_start3A_46, %dma_start3A_47] : memref<2x8x2x2048xf32, #tpu.memory_space<vmem>> -> memref<1x1x2x2048xf32, #tpu.memory_space<vmem>>
    %dma_start3A_49 = tpu.memref_squeeze %dma_start3A_48 : memref<1x1x2x2048xf32, #tpu.memory_space<vmem>> -> memref<2x2048xf32, #tpu.memory_space<vmem>>
    %dma_start3A_50 = arith.constant 0 : i32
    %dma_start3A_51 = tpu.memref_slice %arg2[%dma_start3A, %add3A_43, %dma_start3A_50] : memref<8x2048x2048xf32, #tpu.memory_space<hbm>> -> memref<1x2x2048xf32, #tpu.memory_space<hbm>>
    %dma_start3A_52 = tpu.memref_squeeze %dma_start3A_51 : memref<1x2x2048xf32, #tpu.memory_space<hbm>> -> memref<2x2048xf32, #tpu.memory_space<hbm>>
    %dma_start3A_53 = arith.constant 0 : i32
    %dma_start3A_54 = arith.constant 0 : i32
    %dma_start3A_55 = tpu.memref_slice %arg6[%dma_start3A_44, %dma_start3A_45, %dma_start3A_53, %dma_start3A_54] : memref<2x8x2x2048xf32, #tpu.memory_space<vmem>> -> memref<1x1x2x2048xf32, #tpu.memory_space<vmem>>
    %dma_start3A_56 = tpu.memref_squeeze %dma_start3A_55 : memref<1x1x2x2048xf32, #tpu.memory_space<vmem>> -> memref<2x2048xf32, #tpu.memory_space<vmem>>
    %dma_start3A_57 = arith.constant 0 : i32
    %dma_start3A_58 = tpu.memref_slice %arg2[%dma_start3A, %add3A_43, %dma_start3A_57] : memref<8x2048x2048xf32, #tpu.memory_space<hbm>> -> memref<1x2x2048xf32, #tpu.memory_space<hbm>>
    %dma_start3A_59 = tpu.memref_squeeze %dma_start3A_58 : memref<1x2x2048xf32, #tpu.memory_space<hbm>> -> memref<2x2048xf32, #tpu.memory_space<hbm>>
    tpu.enqueue_dma source(%dma_start3A_59 : memref<2x2048xf32, #tpu.memory_space<hbm>>) target(%dma_start3A_56 : memref<2x2048xf32, #tpu.memory_space<vmem>>) target_semaphore(%arg8 : memref<!tpu.dma_semaphore, #tpu.memory_space<semaphore_mem>>)
    %dma_start3A_60 = arith.constant 1 : i32
    %dma_start3A_61 = arith.constant 0 : i32
    %dma_start3A_62 = arith.constant 1 : i32
    %dma_start3A_63 = arith.constant 0 : i32
    %dma_start3A_64 = arith.constant 0 : i32
    %dma_start3A_65 = tpu.memref_slice %arg6[%dma_start3A_61, %dma_start3A_62, %dma_start3A_63, %dma_start3A_64] : memref<2x8x2x2048xf32, #tpu.memory_space<vmem>> -> memref<1x1x2x2048xf32, #tpu.memory_space<vmem>>
    %dma_start3A_66 = tpu.memref_squeeze %dma_start3A_65 : memref<1x1x2x2048xf32, #tpu.memory_space<vmem>> -> memref<2x2048xf32, #tpu.memory_space<vmem>>
    %dma_start3A_67 = arith.constant 0 : i32
    %dma_start3A_68 = tpu.memref_slice %arg2[%dma_start3A_60, %add3A_43, %dma_start3A_67] : memref<8x2048x2048xf32, #tpu.memory_space<hbm>> -> memref<1x2x2048xf32, #tpu.memory_space<hbm>>
    %dma_start3A_69 = tpu.memref_squeeze %dma_start3A_68 : memref<1x2x2048xf32, #tpu.memory_space<hbm>> -> memref<2x2048xf32, #tpu.memory_space<hbm>>
    %dma_start3A_70 = arith.constant 0 : i32
    %dma_start3A_71 = arith.constant 0 : i32
    %dma_start3A_72 = tpu.memref_slice %arg6[%dma_start3A_61, %dma_start3A_62, %dma_start3A_70, %dma_start3A_71] : memref<2x8x2x2048xf32, #tpu.memory_space<vmem>> -> memref<1x1x2x2048xf32, #tpu.memory_space<vmem>>
    %dma_start3A_73 = tpu.memref_squeeze %dma_start3A_72 : memref<1x1x2x2048xf32, #tpu.memory_space<vmem>> -> memref<2x2048xf32, #tpu.memory_space<vmem>>
    %dma_start3A_74 = arith.constant 0 : i32
    %dma_start3A_75 = tpu.memref_slice %arg2[%dma_start3A_60, %add3A_43, %dma_start3A_74] : memref<8x2048x2048xf32, #tpu.memory_space<hbm>> -> memref<1x2x2048xf32, #tpu.memory_space<hbm>>
    %dma_start3A_76 = tpu.memref_squeeze %dma_start3A_75 : memref<1x2x2048xf32, #tpu.memory_space<hbm>> -> memref<2x2048xf32, #tpu.memory_space<hbm>>
    tpu.enqueue_dma source(%dma_start3A_76 : memref<2x2048xf32, #tpu.memory_space<hbm>>) target(%dma_start3A_73 : memref<2x2048xf32, #tpu.memory_space<vmem>>) target_semaphore(%arg8 : memref<!tpu.dma_semaphore, #tpu.memory_space<semaphore_mem>>)
    %dma_start3A_77 = arith.constant 2 : i32
    %dma_start3A_78 = arith.constant 0 : i32
    %dma_start3A_79 = arith.constant 2 : i32
    %dma_start3A_80 = arith.constant 0 : i32
    %dma_start3A_81 = arith.constant 0 : i32
    %dma_start3A_82 = tpu.memref_slice %arg6[%dma_start3A_78, %dma_start3A_79, %dma_start3A_80, %dma_start3A_81] : memref<2x8x2x2048xf32, #tpu.memory_space<vmem>> -> memref<1x1x2x2048xf32, #tpu.memory_space<vmem>>
    %dma_start3A_83 = tpu.memref_squeeze %dma_start3A_82 : memref<1x1x2x2048xf32, #tpu.memory_space<vmem>> -> memref<2x2048xf32, #tpu.memory_space<vmem>>
    %dma_start3A_84 = arith.constant 0 : i32
    %dma_start3A_85 = tpu.memref_slice %arg2[%dma_start3A_77, %add3A_43, %dma_start3A_84] : memref<8x2048x2048xf32, #tpu.memory_space<hbm>> -> memref<1x2x2048xf32, #tpu.memory_space<hbm>>
    %dma_start3A_86 = tpu.memref_squeeze %dma_start3A_85 : memref<1x2x2048xf32, #tpu.memory_space<hbm>> -> memref<2x2048xf32, #tpu.memory_space<hbm>>
    %dma_start3A_87 = arith.constant 0 : i32
    %dma_start3A_88 = arith.constant 0 : i32
    %dma_start3A_89 = tpu.memref_slice %arg6[%dma_start3A_78, %dma_start3A_79, %dma_start3A_87, %dma_start3A_88] : memref<2x8x2x2048xf32, #tpu.memory_space<vmem>> -> memref<1x1x2x2048xf32, #tpu.memory_space<vmem>>
    %dma_start3A_90 = tpu.memref_squeeze %dma_start3A_89 : memref<1x1x2x2048xf32, #tpu.memory_space<vmem>> -> memref<2x2048xf32, #tpu.memory_space<vmem>>
    %dma_start3A_91 = arith.constant 0 : i32
    %dma_start3A_92 = tpu.memref_slice %arg2[%dma_start3A_77, %add3A_43, %dma_start3A_91] : memref<8x2048x2048xf32, #tpu.memory_space<hbm>> -> memref<1x2x2048xf32, #tpu.memory_space<hbm>>
    %dma_start3A_93 = tpu.memref_squeeze %dma_start3A_92 : memref<1x2x2048xf32, #tpu.memory_space<hbm>> -> memref<2x2048xf32, #tpu.memory_space<hbm>>
    tpu.enqueue_dma source(%dma_start3A_93 : memref<2x2048xf32, #tpu.memory_space<hbm>>) target(%dma_start3A_90 : memref<2x2048xf32, #tpu.memory_space<vmem>>) target_semaphore(%arg8 : memref<!tpu.dma_semaphore, #tpu.memory_space<semaphore_mem>>)
    %dma_start3A_94 = arith.constant 3 : i32
    %dma_start3A_95 = arith.constant 0 : i32
    %dma_start3A_96 = arith.constant 3 : i32
    %dma_start3A_97 = arith.constant 0 : i32
    %dma_start3A_98 = arith.constant 0 : i32
    %dma_start3A_99 = tpu.memref_slice %arg6[%dma_start3A_95, %dma_start3A_96, %dma_start3A_97, %dma_start3A_98] : memref<2x8x2x2048xf32, #tpu.memory_space<vmem>> -> memref<1x1x2x2048xf32, #tpu.memory_space<vmem>>
    %dma_start3A_100 = tpu.memref_squeeze %dma_start3A_99 : memref<1x1x2x2048xf32, #tpu.memory_space<vmem>> -> memref<2x2048xf32, #tpu.memory_space<vmem>>
    %dma_start3A_101 = arith.constant 0 : i32
    %dma_start3A_102 = tpu.memref_slice %arg2[%dma_start3A_94, %add3A_43, %dma_start3A_101] : memref<8x2048x2048xf32, #tpu.memory_space<hbm>> -> memref<1x2x2048xf32, #tpu.memory_space<hbm>>
    %dma_start3A_103 = tpu.memref_squeeze %dma_start3A_102 : memref<1x2x2048xf32, #tpu.memory_space<hbm>> -> memref<2x2048xf32, #tpu.memory_space<hbm>>
    %dma_start3A_104 = arith.constant 0 : i32
    %dma_start3A_105 = arith.constant 0 : i32
    %dma_start3A_106 = tpu.memref_slice %arg6[%dma_start3A_95, %dma_start3A_96, %dma_start3A_104, %dma_start3A_105] : memref<2x8x2x2048xf32, #tpu.memory_space<vmem>> -> memref<1x1x2x2048xf32, #tpu.memory_space<vmem>>
    %dma_start3A_107 = tpu.memref_squeeze %dma_start3A_106 : memref<1x1x2x2048xf32, #tpu.memory_space<vmem>> -> memref<2x2048xf32, #tpu.memory_space<vmem>>
    %dma_start3A_108 = arith.constant 0 : i32
    %dma_start3A_109 = tpu.memref_slice %arg2[%dma_start3A_94, %add3A_43, %dma_start3A_108] : memref<8x2048x2048xf32, #tpu.memory_space<hbm>> -> memref<1x2x2048xf32, #tpu.memory_space<hbm>>
    %dma_start3A_110 = tpu.memref_squeeze %dma_start3A_109 : memref<1x2x2048xf32, #tpu.memory_space<hbm>> -> memref<2x2048xf32, #tpu.memory_space<hbm>>
    tpu.enqueue_dma source(%dma_start3A_110 : memref<2x2048xf32, #tpu.memory_space<hbm>>) target(%dma_start3A_107 : memref<2x2048xf32, #tpu.memory_space<vmem>>) target_semaphore(%arg8 : memref<!tpu.dma_semaphore, #tpu.memory_space<semaphore_mem>>)
    %dma_start3A_111 = arith.constant 4 : i32
    %dma_start3A_112 = arith.constant 0 : i32
    %dma_start3A_113 = arith.constant 4 : i32
    %dma_start3A_114 = arith.constant 0 : i32
    %dma_start3A_115 = arith.constant 0 : i32
    %dma_start3A_116 = tpu.memref_slice %arg6[%dma_start3A_112, %dma_start3A_113, %dma_start3A_114, %dma_start3A_115] : memref<2x8x2x2048xf32, #tpu.memory_space<vmem>> -> memref<1x1x2x2048xf32, #tpu.memory_space<vmem>>
    %dma_start3A_117 = tpu.memref_squeeze %dma_start3A_116 : memref<1x1x2x2048xf32, #tpu.memory_space<vmem>> -> memref<2x2048xf32, #tpu.memory_space<vmem>>
    %dma_start3A_118 = arith.constant 0 : i32
    %dma_start3A_119 = tpu.memref_slice %arg2[%dma_start3A_111, %add3A_43, %dma_start3A_118] : memref<8x2048x2048xf32, #tpu.memory_space<hbm>> -> memref<1x2x2048xf32, #tpu.memory_space<hbm>>
    %dma_start3A_120 = tpu.memref_squeeze %dma_start3A_119 : memref<1x2x2048xf32, #tpu.memory_space<hbm>> -> memref<2x2048xf32, #tpu.memory_space<hbm>>
    %dma_start3A_121 = arith.constant 0 : i32
    %dma_start3A_122 = arith.constant 0 : i32
    %dma_start3A_123 = tpu.memref_slice %arg6[%dma_start3A_112, %dma_start3A_113, %dma_start3A_121, %dma_start3A_122] : memref<2x8x2x2048xf32, #tpu.memory_space<vmem>> -> memref<1x1x2x2048xf32, #tpu.memory_space<vmem>>
    %dma_start3A_124 = tpu.memref_squeeze %dma_start3A_123 : memref<1x1x2x2048xf32, #tpu.memory_space<vmem>> -> memref<2x2048xf32, #tpu.memory_space<vmem>>
    %dma_start3A_125 = arith.constant 0 : i32
    %dma_start3A_126 = tpu.memref_slice %arg2[%dma_start3A_111, %add3A_43, %dma_start3A_125] : memref<8x2048x2048xf32, #tpu.memory_space<hbm>> -> memref<1x2x2048xf32, #tpu.memory_space<hbm>>
    %dma_start3A_127 = tpu.memref_squeeze %dma_start3A_126 : memref<1x2x2048xf32, #tpu.memory_space<hbm>> -> memref<2x2048xf32, #tpu.memory_space<hbm>>
    tpu.enqueue_dma source(%dma_start3A_127 : memref<2x2048xf32, #tpu.memory_space<hbm>>) target(%dma_start3A_124 : memref<2x2048xf32, #tpu.memory_space<vmem>>) target_semaphore(%arg8 : memref<!tpu.dma_semaphore, #tpu.memory_space<semaphore_mem>>)
    %dma_start3A_128 = arith.constant 5 : i32
    %dma_start3A_129 = arith.constant 0 : i32
    %dma_start3A_130 = arith.constant 5 : i32
    %dma_start3A_131 = arith.constant 0 : i32
    %dma_start3A_132 = arith.constant 0 : i32
    %dma_start3A_133 = tpu.memref_slice %arg6[%dma_start3A_129, %dma_start3A_130, %dma_start3A_131, %dma_start3A_132] : memref<2x8x2x2048xf32, #tpu.memory_space<vmem>> -> memref<1x1x2x2048xf32, #tpu.memory_space<vmem>>
    %dma_start3A_134 = tpu.memref_squeeze %dma_start3A_133 : memref<1x1x2x2048xf32, #tpu.memory_space<vmem>> -> memref<2x2048xf32, #tpu.memory_space<vmem>>
    %dma_start3A_135 = arith.constant 0 : i32
    %dma_start3A_136 = tpu.memref_slice %arg2[%dma_start3A_128, %add3A_43, %dma_start3A_135] : memref<8x2048x2048xf32, #tpu.memory_space<hbm>> -> memref<1x2x2048xf32, #tpu.memory_space<hbm>>
    %dma_start3A_137 = tpu.memref_squeeze %dma_start3A_136 : memref<1x2x2048xf32, #tpu.memory_space<hbm>> -> memref<2x2048xf32, #tpu.memory_space<hbm>>
    %dma_start3A_138 = arith.constant 0 : i32
    %dma_start3A_139 = arith.constant 0 : i32
    %dma_start3A_140 = tpu.memref_slice %arg6[%dma_start3A_129, %dma_start3A_130, %dma_start3A_138, %dma_start3A_139] : memref<2x8x2x2048xf32, #tpu.memory_space<vmem>> -> memref<1x1x2x2048xf32, #tpu.memory_space<vmem>>
    %dma_start3A_141 = tpu.memref_squeeze %dma_start3A_140 : memref<1x1x2x2048xf32, #tpu.memory_space<vmem>> -> memref<2x2048xf32, #tpu.memory_space<vmem>>
    %dma_start3A_142 = arith.constant 0 : i32
    %dma_start3A_143 = tpu.memref_slice %arg2[%dma_start3A_128, %add3A_43, %dma_start3A_142] : memref<8x2048x2048xf32, #tpu.memory_space<hbm>> -> memref<1x2x2048xf32, #tpu.memory_space<hbm>>
    %dma_start3A_144 = tpu.memref_squeeze %dma_start3A_143 : memref<1x2x2048xf32, #tpu.memory_space<hbm>> -> memref<2x2048xf32, #tpu.memory_space<hbm>>
    tpu.enqueue_dma source(%dma_start3A_144 : memref<2x2048xf32, #tpu.memory_space<hbm>>) target(%dma_start3A_141 : memref<2x2048xf32, #tpu.memory_space<vmem>>) target_semaphore(%arg8 : memref<!tpu.dma_semaphore, #tpu.memory_space<semaphore_mem>>)
    %dma_start3A_145 = arith.constant 6 : i32
    %dma_start3A_146 = arith.constant 0 : i32
    %dma_start3A_147 = arith.constant 6 : i32
    %dma_start3A_148 = arith.constant 0 : i32
    %dma_start3A_149 = arith.constant 0 : i32
    %dma_start3A_150 = tpu.memref_slice %arg6[%dma_start3A_146, %dma_start3A_147, %dma_start3A_148, %dma_start3A_149] : memref<2x8x2x2048xf32, #tpu.memory_space<vmem>> -> memref<1x1x2x2048xf32, #tpu.memory_space<vmem>>
    %dma_start3A_151 = tpu.memref_squeeze %dma_start3A_150 : memref<1x1x2x2048xf32, #tpu.memory_space<vmem>> -> memref<2x2048xf32, #tpu.memory_space<vmem>>
    %dma_start3A_152 = arith.constant 0 : i32
    %dma_start3A_153 = tpu.memref_slice %arg2[%dma_start3A_145, %add3A_43, %dma_start3A_152] : memref<8x2048x2048xf32, #tpu.memory_space<hbm>> -> memref<1x2x2048xf32, #tpu.memory_space<hbm>>
    %dma_start3A_154 = tpu.memref_squeeze %dma_start3A_153 : memref<1x2x2048xf32, #tpu.memory_space<hbm>> -> memref<2x2048xf32, #tpu.memory_space<hbm>>
    %dma_start3A_155 = arith.constant 0 : i32
    %dma_start3A_156 = arith.constant 0 : i32
    %dma_start3A_157 = tpu.memref_slice %arg6[%dma_start3A_146, %dma_start3A_147, %dma_start3A_155, %dma_start3A_156] : memref<2x8x2x2048xf32, #tpu.memory_space<vmem>> -> memref<1x1x2x2048xf32, #tpu.memory_space<vmem>>
    %dma_start3A_158 = tpu.memref_squeeze %dma_start3A_157 : memref<1x1x2x2048xf32, #tpu.memory_space<vmem>> -> memref<2x2048xf32, #tpu.memory_space<vmem>>
    %dma_start3A_159 = arith.constant 0 : i32
    %dma_start3A_160 = tpu.memref_slice %arg2[%dma_start3A_145, %add3A_43, %dma_start3A_159] : memref<8x2048x2048xf32, #tpu.memory_space<hbm>> -> memref<1x2x2048xf32, #tpu.memory_space<hbm>>
    %dma_start3A_161 = tpu.memref_squeeze %dma_start3A_160 : memref<1x2x2048xf32, #tpu.memory_space<hbm>> -> memref<2x2048xf32, #tpu.memory_space<hbm>>
    tpu.enqueue_dma source(%dma_start3A_161 : memref<2x2048xf32, #tpu.memory_space<hbm>>) target(%dma_start3A_158 : memref<2x2048xf32, #tpu.memory_space<vmem>>) target_semaphore(%arg8 : memref<!tpu.dma_semaphore, #tpu.memory_space<semaphore_mem>>)
    %dma_start3A_162 = arith.constant 7 : i32
    %dma_start3A_163 = arith.constant 0 : i32
    %dma_start3A_164 = arith.constant 7 : i32
    %dma_start3A_165 = arith.constant 0 : i32
    %dma_start3A_166 = arith.constant 0 : i32
    %dma_start3A_167 = tpu.memref_slice %arg6[%dma_start3A_163, %dma_start3A_164, %dma_start3A_165, %dma_start3A_166] : memref<2x8x2x2048xf32, #tpu.memory_space<vmem>> -> memref<1x1x2x2048xf32, #tpu.memory_space<vmem>>
    %dma_start3A_168 = tpu.memref_squeeze %dma_start3A_167 : memref<1x1x2x2048xf32, #tpu.memory_space<vmem>> -> memref<2x2048xf32, #tpu.memory_space<vmem>>
    %dma_start3A_169 = arith.constant 0 : i32
    %dma_start3A_170 = tpu.memref_slice %arg2[%dma_start3A_162, %add3A_43, %dma_start3A_169] : memref<8x2048x2048xf32, #tpu.memory_space<hbm>> -> memref<1x2x2048xf32, #tpu.memory_space<hbm>>
    %dma_start3A_171 = tpu.memref_squeeze %dma_start3A_170 : memref<1x2x2048xf32, #tpu.memory_space<hbm>> -> memref<2x2048xf32, #tpu.memory_space<hbm>>
    %dma_start3A_172 = arith.constant 0 : i32
    %dma_start3A_173 = arith.constant 0 : i32
    %dma_start3A_174 = tpu.memref_slice %arg6[%dma_start3A_163, %dma_start3A_164, %dma_start3A_172, %dma_start3A_173] : memref<2x8x2x2048xf32, #tpu.memory_space<vmem>> -> memref<1x1x2x2048xf32, #tpu.memory_space<vmem>>
    %dma_start3A_175 = tpu.memref_squeeze %dma_start3A_174 : memref<1x1x2x2048xf32, #tpu.memory_space<vmem>> -> memref<2x2048xf32, #tpu.memory_space<vmem>>
    %dma_start3A_176 = arith.constant 0 : i32
    %dma_start3A_177 = tpu.memref_slice %arg2[%dma_start3A_162, %add3A_43, %dma_start3A_176] : memref<8x2048x2048xf32, #tpu.memory_space<hbm>> -> memref<1x2x2048xf32, #tpu.memory_space<hbm>>
    %dma_start3A_178 = tpu.memref_squeeze %dma_start3A_177 : memref<1x2x2048xf32, #tpu.memory_space<hbm>> -> memref<2x2048xf32, #tpu.memory_space<hbm>>
    tpu.enqueue_dma source(%dma_start3A_178 : memref<2x2048xf32, #tpu.memory_space<hbm>>) target(%dma_start3A_175 : memref<2x2048xf32, #tpu.memory_space<vmem>>) target_semaphore(%arg8 : memref<!tpu.dma_semaphore, #tpu.memory_space<semaphore_mem>>)
    %scan3A = arith.constant 0 : i32
    %scan3A_179 = arith.constant 0 : i32
    %scan3A_180 = arith.constant 16 : i32
    %scan3A_181 = arith.addi %scan3A_179, %scan3A_180 : i32
    %scan3A_182 = arith.constant 1 : i32
    scf.for %scan3A_184 = %scan3A_179 to %scan3A_181 step %scan3A_182  : i32 {
      %mul3A_185 = arith.constant 2 : i32
      %mul3A_186 = arith.muli %scan3A_184, %mul3A_185 : i32
      %add3A_187 = arith.constant 0 : i32
      %add3A_188 = arith.addi %mul3A_186, %add3A_187 : i32
      %add3A_189 = arith.constant 1 : i32
      %add3A_190 = arith.addi %add3A_188, %add3A_189 : i32
      %lt3A = arith.constant 32 : i32
      %lt3A_191 = arith.cmpi slt, %add3A_190, %lt3A : i32
      %convert_element_type3A = arith.extui %lt3A_191 : i1 to i32
      %cond3A = arith.constant 0 : i32
      %cond3A_192 = arith.cmpi ne, %convert_element_type3A, %cond3A : i32
      scf.if %cond3A_192 {
        %mul3A_269 = arith.constant 2 : i32
        %mul3A_270 = arith.muli %add3A_190, %mul3A_269 : i32
        %add3A_271 = arith.addi %mul3A_2, %mul3A_270 : i32
        %dma_start3A_272 = arith.constant 0 : i32
        %dma_start3A_273 = arith.constant 1 : i32
        %dma_start3A_274 = arith.constant 0 : i32
        %dma_start3A_275 = arith.constant 0 : i32
        %dma_start3A_276 = arith.constant 0 : i32
        %dma_start3A_277 = tpu.memref_slice %arg6[%dma_start3A_273, %dma_start3A_274, %dma_start3A_275, %dma_start3A_276] : memref<2x8x2x2048xf32, #tpu.memory_space<vmem>> -> memref<1x1x2x2048xf32, #tpu.memory_space<vmem>>
        %dma_start3A_278 = tpu.memref_squeeze %dma_start3A_277 : memref<1x1x2x2048xf32, #tpu.memory_space<vmem>> -> memref<2x2048xf32, #tpu.memory_space<vmem>>
        %dma_start3A_279 = arith.constant 0 : i32
        %dma_start3A_280 = tpu.memref_slice %arg2[%dma_start3A_272, %add3A_271, %dma_start3A_279] : memref<8x2048x2048xf32, #tpu.memory_space<hbm>> -> memref<1x2x2048xf32, #tpu.memory_space<hbm>>
        %dma_start3A_281 = tpu.memref_squeeze %dma_start3A_280 : memref<1x2x2048xf32, #tpu.memory_space<hbm>> -> memref<2x2048xf32, #tpu.memory_space<hbm>>
        %dma_start3A_282 = arith.constant 0 : i32
        %dma_start3A_283 = arith.constant 0 : i32
        %dma_start3A_284 = tpu.memref_slice %arg6[%dma_start3A_273, %dma_start3A_274, %dma_start3A_282, %dma_start3A_283] : memref<2x8x2x2048xf32, #tpu.memory_space<vmem>> -> memref<1x1x2x2048xf32, #tpu.memory_space<vmem>>
        %dma_start3A_285 = tpu.memref_squeeze %dma_start3A_284 : memref<1x1x2x2048xf32, #tpu.memory_space<vmem>> -> memref<2x2048xf32, #tpu.memory_space<vmem>>
        %dma_start3A_286 = arith.constant 0 : i32
        %dma_start3A_287 = tpu.memref_slice %arg2[%dma_start3A_272, %add3A_271, %dma_start3A_286] : memref<8x2048x2048xf32, #tpu.memory_space<hbm>> -> memref<1x2x2048xf32, #tpu.memory_space<hbm>>
        %dma_start3A_288 = tpu.memref_squeeze %dma_start3A_287 : memref<1x2x2048xf32, #tpu.memory_space<hbm>> -> memref<2x2048xf32, #tpu.memory_space<hbm>>
        tpu.enqueue_dma source(%dma_start3A_288 : memref<2x2048xf32, #tpu.memory_space<hbm>>) target(%dma_start3A_285 : memref<2x2048xf32, #tpu.memory_space<vmem>>) target_semaphore(%arg9 : memref<!tpu.dma_semaphore, #tpu.memory_space<semaphore_mem>>)
        %dma_start3A_289 = arith.constant 1 : i32
        %dma_start3A_290 = arith.constant 1 : i32
        %dma_start3A_291 = arith.constant 1 : i32
        %dma_start3A_292 = arith.constant 0 : i32
        %dma_start3A_293 = arith.constant 0 : i32
        %dma_start3A_294 = tpu.memref_slice %arg6[%dma_start3A_290, %dma_start3A_291, %dma_start3A_292, %dma_start3A_293] : memref<2x8x2x2048xf32, #tpu.memory_space<vmem>> -> memref<1x1x2x2048xf32, #tpu.memory_space<vmem>>
        %dma_start3A_295 = tpu.memref_squeeze %dma_start3A_294 : memref<1x1x2x2048xf32, #tpu.memory_space<vmem>> -> memref<2x2048xf32, #tpu.memory_space<vmem>>
        %dma_start3A_296 = arith.constant 0 : i32
        %dma_start3A_297 = tpu.memref_slice %arg2[%dma_start3A_289, %add3A_271, %dma_start3A_296] : memref<8x2048x2048xf32, #tpu.memory_space<hbm>> -> memref<1x2x2048xf32, #tpu.memory_space<hbm>>
        %dma_start3A_298 = tpu.memref_squeeze %dma_start3A_297 : memref<1x2x2048xf32, #tpu.memory_space<hbm>> -> memref<2x2048xf32, #tpu.memory_space<hbm>>
        %dma_start3A_299 = arith.constant 0 : i32
        %dma_start3A_300 = arith.constant 0 : i32
        %dma_start3A_301 = tpu.memref_slice %arg6[%dma_start3A_290, %dma_start3A_291, %dma_start3A_299, %dma_start3A_300] : memref<2x8x2x2048xf32, #tpu.memory_space<vmem>> -> memref<1x1x2x2048xf32, #tpu.memory_space<vmem>>
        %dma_start3A_302 = tpu.memref_squeeze %dma_start3A_301 : memref<1x1x2x2048xf32, #tpu.memory_space<vmem>> -> memref<2x2048xf32, #tpu.memory_space<vmem>>
        %dma_start3A_303 = arith.constant 0 : i32
        %dma_start3A_304 = tpu.memref_slice %arg2[%dma_start3A_289, %add3A_271, %dma_start3A_303] : memref<8x2048x2048xf32, #tpu.memory_space<hbm>> -> memref<1x2x2048xf32, #tpu.memory_space<hbm>>
        %dma_start3A_305 = tpu.memref_squeeze %dma_start3A_304 : memref<1x2x2048xf32, #tpu.memory_space<hbm>> -> memref<2x2048xf32, #tpu.memory_space<hbm>>
        tpu.enqueue_dma source(%dma_start3A_305 : memref<2x2048xf32, #tpu.memory_space<hbm>>) target(%dma_start3A_302 : memref<2x2048xf32, #tpu.memory_space<vmem>>) target_semaphore(%arg9 : memref<!tpu.dma_semaphore, #tpu.memory_space<semaphore_mem>>)
        %dma_start3A_306 = arith.constant 2 : i32
        %dma_start3A_307 = arith.constant 1 : i32
        %dma_start3A_308 = arith.constant 2 : i32
        %dma_start3A_309 = arith.constant 0 : i32
        %dma_start3A_310 = arith.constant 0 : i32
        %dma_start3A_311 = tpu.memref_slice %arg6[%dma_start3A_307, %dma_start3A_308, %dma_start3A_309, %dma_start3A_310] : memref<2x8x2x2048xf32, #tpu.memory_space<vmem>> -> memref<1x1x2x2048xf32, #tpu.memory_space<vmem>>
        %dma_start3A_312 = tpu.memref_squeeze %dma_start3A_311 : memref<1x1x2x2048xf32, #tpu.memory_space<vmem>> -> memref<2x2048xf32, #tpu.memory_space<vmem>>
        %dma_start3A_313 = arith.constant 0 : i32
        %dma_start3A_314 = tpu.memref_slice %arg2[%dma_start3A_306, %add3A_271, %dma_start3A_313] : memref<8x2048x2048xf32, #tpu.memory_space<hbm>> -> memref<1x2x2048xf32, #tpu.memory_space<hbm>>
        %dma_start3A_315 = tpu.memref_squeeze %dma_start3A_314 : memref<1x2x2048xf32, #tpu.memory_space<hbm>> -> memref<2x2048xf32, #tpu.memory_space<hbm>>
        %dma_start3A_316 = arith.constant 0 : i32
        %dma_start3A_317 = arith.constant 0 : i32
        %dma_start3A_318 = tpu.memref_slice %arg6[%dma_start3A_307, %dma_start3A_308, %dma_start3A_316, %dma_start3A_317] : memref<2x8x2x2048xf32, #tpu.memory_space<vmem>> -> memref<1x1x2x2048xf32, #tpu.memory_space<vmem>>
        %dma_start3A_319 = tpu.memref_squeeze %dma_start3A_318 : memref<1x1x2x2048xf32, #tpu.memory_space<vmem>> -> memref<2x2048xf32, #tpu.memory_space<vmem>>
        %dma_start3A_320 = arith.constant 0 : i32
        %dma_start3A_321 = tpu.memref_slice %arg2[%dma_start3A_306, %add3A_271, %dma_start3A_320] : memref<8x2048x2048xf32, #tpu.memory_space<hbm>> -> memref<1x2x2048xf32, #tpu.memory_space<hbm>>
        %dma_start3A_322 = tpu.memref_squeeze %dma_start3A_321 : memref<1x2x2048xf32, #tpu.memory_space<hbm>> -> memref<2x2048xf32, #tpu.memory_space<hbm>>
        tpu.enqueue_dma source(%dma_start3A_322 : memref<2x2048xf32, #tpu.memory_space<hbm>>) target(%dma_start3A_319 : memref<2x2048xf32, #tpu.memory_space<vmem>>) target_semaphore(%arg9 : memref<!tpu.dma_semaphore, #tpu.memory_space<semaphore_mem>>)
        %dma_start3A_323 = arith.constant 3 : i32
        %dma_start3A_324 = arith.constant 1 : i32
        %dma_start3A_325 = arith.constant 3 : i32
        %dma_start3A_326 = arith.constant 0 : i32
        %dma_start3A_327 = arith.constant 0 : i32
        %dma_start3A_328 = tpu.memref_slice %arg6[%dma_start3A_324, %dma_start3A_325, %dma_start3A_326, %dma_start3A_327] : memref<2x8x2x2048xf32, #tpu.memory_space<vmem>> -> memref<1x1x2x2048xf32, #tpu.memory_space<vmem>>
        %dma_start3A_329 = tpu.memref_squeeze %dma_start3A_328 : memref<1x1x2x2048xf32, #tpu.memory_space<vmem>> -> memref<2x2048xf32, #tpu.memory_space<vmem>>
        %dma_start3A_330 = arith.constant 0 : i32
        %dma_start3A_331 = tpu.memref_slice %arg2[%dma_start3A_323, %add3A_271, %dma_start3A_330] : memref<8x2048x2048xf32, #tpu.memory_space<hbm>> -> memref<1x2x2048xf32, #tpu.memory_space<hbm>>
        %dma_start3A_332 = tpu.memref_squeeze %dma_start3A_331 : memref<1x2x2048xf32, #tpu.memory_space<hbm>> -> memref<2x2048xf32, #tpu.memory_space<hbm>>
        %dma_start3A_333 = arith.constant 0 : i32
        %dma_start3A_334 = arith.constant 0 : i32
        %dma_start3A_335 = tpu.memref_slice %arg6[%dma_start3A_324, %dma_start3A_325, %dma_start3A_333, %dma_start3A_334] : memref<2x8x2x2048xf32, #tpu.memory_space<vmem>> -> memref<1x1x2x2048xf32, #tpu.memory_space<vmem>>
        %dma_start3A_336 = tpu.memref_squeeze %dma_start3A_335 : memref<1x1x2x2048xf32, #tpu.memory_space<vmem>> -> memref<2x2048xf32, #tpu.memory_space<vmem>>
        %dma_start3A_337 = arith.constant 0 : i32
        %dma_start3A_338 = tpu.memref_slice %arg2[%dma_start3A_323, %add3A_271, %dma_start3A_337] : memref<8x2048x2048xf32, #tpu.memory_space<hbm>> -> memref<1x2x2048xf32, #tpu.memory_space<hbm>>
        %dma_start3A_339 = tpu.memref_squeeze %dma_start3A_338 : memref<1x2x2048xf32, #tpu.memory_space<hbm>> -> memref<2x2048xf32, #tpu.memory_space<hbm>>
        tpu.enqueue_dma source(%dma_start3A_339 : memref<2x2048xf32, #tpu.memory_space<hbm>>) target(%dma_start3A_336 : memref<2x2048xf32, #tpu.memory_space<vmem>>) target_semaphore(%arg9 : memref<!tpu.dma_semaphore, #tpu.memory_space<semaphore_mem>>)
        %dma_start3A_340 = arith.constant 4 : i32
        %dma_start3A_341 = arith.constant 1 : i32
        %dma_start3A_342 = arith.constant 4 : i32
        %dma_start3A_343 = arith.constant 0 : i32
        %dma_start3A_344 = arith.constant 0 : i32
        %dma_start3A_345 = tpu.memref_slice %arg6[%dma_start3A_341, %dma_start3A_342, %dma_start3A_343, %dma_start3A_344] : memref<2x8x2x2048xf32, #tpu.memory_space<vmem>> -> memref<1x1x2x2048xf32, #tpu.memory_space<vmem>>
        %dma_start3A_346 = tpu.memref_squeeze %dma_start3A_345 : memref<1x1x2x2048xf32, #tpu.memory_space<vmem>> -> memref<2x2048xf32, #tpu.memory_space<vmem>>
        %dma_start3A_347 = arith.constant 0 : i32
        %dma_start3A_348 = tpu.memref_slice %arg2[%dma_start3A_340, %add3A_271, %dma_start3A_347] : memref<8x2048x2048xf32, #tpu.memory_space<hbm>> -> memref<1x2x2048xf32, #tpu.memory_space<hbm>>
        %dma_start3A_349 = tpu.memref_squeeze %dma_start3A_348 : memref<1x2x2048xf32, #tpu.memory_space<hbm>> -> memref<2x2048xf32, #tpu.memory_space<hbm>>
        %dma_start3A_350 = arith.constant 0 : i32
        %dma_start3A_351 = arith.constant 0 : i32
        %dma_start3A_352 = tpu.memref_slice %arg6[%dma_start3A_341, %dma_start3A_342, %dma_start3A_350, %dma_start3A_351] : memref<2x8x2x2048xf32, #tpu.memory_space<vmem>> -> memref<1x1x2x2048xf32, #tpu.memory_space<vmem>>
        %dma_start3A_353 = tpu.memref_squeeze %dma_start3A_352 : memref<1x1x2x2048xf32, #tpu.memory_space<vmem>> -> memref<2x2048xf32, #tpu.memory_space<vmem>>
        %dma_start3A_354 = arith.constant 0 : i32
        %dma_start3A_355 = tpu.memref_slice %arg2[%dma_start3A_340, %add3A_271, %dma_start3A_354] : memref<8x2048x2048xf32, #tpu.memory_space<hbm>> -> memref<1x2x2048xf32, #tpu.memory_space<hbm>>
        %dma_start3A_356 = tpu.memref_squeeze %dma_start3A_355 : memref<1x2x2048xf32, #tpu.memory_space<hbm>> -> memref<2x2048xf32, #tpu.memory_space<hbm>>
        tpu.enqueue_dma source(%dma_start3A_356 : memref<2x2048xf32, #tpu.memory_space<hbm>>) target(%dma_start3A_353 : memref<2x2048xf32, #tpu.memory_space<vmem>>) target_semaphore(%arg9 : memref<!tpu.dma_semaphore, #tpu.memory_space<semaphore_mem>>)
        %dma_start3A_357 = arith.constant 5 : i32
        %dma_start3A_358 = arith.constant 1 : i32
        %dma_start3A_359 = arith.constant 5 : i32
        %dma_start3A_360 = arith.constant 0 : i32
        %dma_start3A_361 = arith.constant 0 : i32
        %dma_start3A_362 = tpu.memref_slice %arg6[%dma_start3A_358, %dma_start3A_359, %dma_start3A_360, %dma_start3A_361] : memref<2x8x2x2048xf32, #tpu.memory_space<vmem>> -> memref<1x1x2x2048xf32, #tpu.memory_space<vmem>>
        %dma_start3A_363 = tpu.memref_squeeze %dma_start3A_362 : memref<1x1x2x2048xf32, #tpu.memory_space<vmem>> -> memref<2x2048xf32, #tpu.memory_space<vmem>>
        %dma_start3A_364 = arith.constant 0 : i32
        %dma_start3A_365 = tpu.memref_slice %arg2[%dma_start3A_357, %add3A_271, %dma_start3A_364] : memref<8x2048x2048xf32, #tpu.memory_space<hbm>> -> memref<1x2x2048xf32, #tpu.memory_space<hbm>>
        %dma_start3A_366 = tpu.memref_squeeze %dma_start3A_365 : memref<1x2x2048xf32, #tpu.memory_space<hbm>> -> memref<2x2048xf32, #tpu.memory_space<hbm>>
        %dma_start3A_367 = arith.constant 0 : i32
        %dma_start3A_368 = arith.constant 0 : i32
        %dma_start3A_369 = tpu.memref_slice %arg6[%dma_start3A_358, %dma_start3A_359, %dma_start3A_367, %dma_start3A_368] : memref<2x8x2x2048xf32, #tpu.memory_space<vmem>> -> memref<1x1x2x2048xf32, #tpu.memory_space<vmem>>
        %dma_start3A_370 = tpu.memref_squeeze %dma_start3A_369 : memref<1x1x2x2048xf32, #tpu.memory_space<vmem>> -> memref<2x2048xf32, #tpu.memory_space<vmem>>
        %dma_start3A_371 = arith.constant 0 : i32
        %dma_start3A_372 = tpu.memref_slice %arg2[%dma_start3A_357, %add3A_271, %dma_start3A_371] : memref<8x2048x2048xf32, #tpu.memory_space<hbm>> -> memref<1x2x2048xf32, #tpu.memory_space<hbm>>
        %dma_start3A_373 = tpu.memref_squeeze %dma_start3A_372 : memref<1x2x2048xf32, #tpu.memory_space<hbm>> -> memref<2x2048xf32, #tpu.memory_space<hbm>>
        tpu.enqueue_dma source(%dma_start3A_373 : memref<2x2048xf32, #tpu.memory_space<hbm>>) target(%dma_start3A_370 : memref<2x2048xf32, #tpu.memory_space<vmem>>) target_semaphore(%arg9 : memref<!tpu.dma_semaphore, #tpu.memory_space<semaphore_mem>>)
        %dma_start3A_374 = arith.constant 6 : i32
        %dma_start3A_375 = arith.constant 1 : i32
        %dma_start3A_376 = arith.constant 6 : i32
        %dma_start3A_377 = arith.constant 0 : i32
        %dma_start3A_378 = arith.constant 0 : i32
        %dma_start3A_379 = tpu.memref_slice %arg6[%dma_start3A_375, %dma_start3A_376, %dma_start3A_377, %dma_start3A_378] : memref<2x8x2x2048xf32, #tpu.memory_space<vmem>> -> memref<1x1x2x2048xf32, #tpu.memory_space<vmem>>
        %dma_start3A_380 = tpu.memref_squeeze %dma_start3A_379 : memref<1x1x2x2048xf32, #tpu.memory_space<vmem>> -> memref<2x2048xf32, #tpu.memory_space<vmem>>
        %dma_start3A_381 = arith.constant 0 : i32
        %dma_start3A_382 = tpu.memref_slice %arg2[%dma_start3A_374, %add3A_271, %dma_start3A_381] : memref<8x2048x2048xf32, #tpu.memory_space<hbm>> -> memref<1x2x2048xf32, #tpu.memory_space<hbm>>
        %dma_start3A_383 = tpu.memref_squeeze %dma_start3A_382 : memref<1x2x2048xf32, #tpu.memory_space<hbm>> -> memref<2x2048xf32, #tpu.memory_space<hbm>>
        %dma_start3A_384 = arith.constant 0 : i32
        %dma_start3A_385 = arith.constant 0 : i32
        %dma_start3A_386 = tpu.memref_slice %arg6[%dma_start3A_375, %dma_start3A_376, %dma_start3A_384, %dma_start3A_385] : memref<2x8x2x2048xf32, #tpu.memory_space<vmem>> -> memref<1x1x2x2048xf32, #tpu.memory_space<vmem>>
        %dma_start3A_387 = tpu.memref_squeeze %dma_start3A_386 : memref<1x1x2x2048xf32, #tpu.memory_space<vmem>> -> memref<2x2048xf32, #tpu.memory_space<vmem>>
        %dma_start3A_388 = arith.constant 0 : i32
        %dma_start3A_389 = tpu.memref_slice %arg2[%dma_start3A_374, %add3A_271, %dma_start3A_388] : memref<8x2048x2048xf32, #tpu.memory_space<hbm>> -> memref<1x2x2048xf32, #tpu.memory_space<hbm>>
        %dma_start3A_390 = tpu.memref_squeeze %dma_start3A_389 : memref<1x2x2048xf32, #tpu.memory_space<hbm>> -> memref<2x2048xf32, #tpu.memory_space<hbm>>
        tpu.enqueue_dma source(%dma_start3A_390 : memref<2x2048xf32, #tpu.memory_space<hbm>>) target(%dma_start3A_387 : memref<2x2048xf32, #tpu.memory_space<vmem>>) target_semaphore(%arg9 : memref<!tpu.dma_semaphore, #tpu.memory_space<semaphore_mem>>)
        %dma_start3A_391 = arith.constant 7 : i32
        %dma_start3A_392 = arith.constant 1 : i32
        %dma_start3A_393 = arith.constant 7 : i32
        %dma_start3A_394 = arith.constant 0 : i32
        %dma_start3A_395 = arith.constant 0 : i32
        %dma_start3A_396 = tpu.memref_slice %arg6[%dma_start3A_392, %dma_start3A_393, %dma_start3A_394, %dma_start3A_395] : memref<2x8x2x2048xf32, #tpu.memory_space<vmem>> -> memref<1x1x2x2048xf32, #tpu.memory_space<vmem>>
        %dma_start3A_397 = tpu.memref_squeeze %dma_start3A_396 : memref<1x1x2x2048xf32, #tpu.memory_space<vmem>> -> memref<2x2048xf32, #tpu.memory_space<vmem>>
        %dma_start3A_398 = arith.constant 0 : i32
        %dma_start3A_399 = tpu.memref_slice %arg2[%dma_start3A_391, %add3A_271, %dma_start3A_398] : memref<8x2048x2048xf32, #tpu.memory_space<hbm>> -> memref<1x2x2048xf32, #tpu.memory_space<hbm>>
        %dma_start3A_400 = tpu.memref_squeeze %dma_start3A_399 : memref<1x2x2048xf32, #tpu.memory_space<hbm>> -> memref<2x2048xf32, #tpu.memory_space<hbm>>
        %dma_start3A_401 = arith.constant 0 : i32
        %dma_start3A_402 = arith.constant 0 : i32
        %dma_start3A_403 = tpu.memref_slice %arg6[%dma_start3A_392, %dma_start3A_393, %dma_start3A_401, %dma_start3A_402] : memref<2x8x2x2048xf32, #tpu.memory_space<vmem>> -> memref<1x1x2x2048xf32, #tpu.memory_space<vmem>>
        %dma_start3A_404 = tpu.memref_squeeze %dma_start3A_403 : memref<1x1x2x2048xf32, #tpu.memory_space<vmem>> -> memref<2x2048xf32, #tpu.memory_space<vmem>>
        %dma_start3A_405 = arith.constant 0 : i32
        %dma_start3A_406 = tpu.memref_slice %arg2[%dma_start3A_391, %add3A_271, %dma_start3A_405] : memref<8x2048x2048xf32, #tpu.memory_space<hbm>> -> memref<1x2x2048xf32, #tpu.memory_space<hbm>>
        %dma_start3A_407 = tpu.memref_squeeze %dma_start3A_406 : memref<1x2x2048xf32, #tpu.memory_space<hbm>> -> memref<2x2048xf32, #tpu.memory_space<hbm>>
        tpu.enqueue_dma source(%dma_start3A_407 : memref<2x2048xf32, #tpu.memory_space<hbm>>) target(%dma_start3A_404 : memref<2x2048xf32, #tpu.memory_space<vmem>>) target_semaphore(%arg9 : memref<!tpu.dma_semaphore, #tpu.memory_space<semaphore_mem>>)
      } else {
      }
      %dma_wait3A = arith.constant 0 : i32
      %dma_wait3A_193 = arith.constant 0 : i32
      %dma_wait3A_194 = arith.constant 0 : i32
      %dma_wait3A_195 = arith.constant 0 : i32
      %dma_wait3A_196 = tpu.memref_slice %arg6[%dma_wait3A, %dma_wait3A_193, %dma_wait3A_194, %dma_wait3A_195] : memref<2x8x2x2048xf32, #tpu.memory_space<vmem>> -> memref<1x8x2x2048xf32, #tpu.memory_space<vmem>>
      %dma_wait3A_197 = tpu.memref_squeeze %dma_wait3A_196 : memref<1x8x2x2048xf32, #tpu.memory_space<vmem>> -> memref<8x2x2048xf32, #tpu.memory_space<vmem>>
      %dma_wait3A_198 = arith.constant 0 : i32
      %dma_wait3A_199 = arith.constant 0 : i32
      %dma_wait3A_200 = arith.constant 0 : i32
      %dma_wait3A_201 = tpu.memref_slice %arg2[%dma_wait3A_198, %dma_wait3A_199, %dma_wait3A_200] : memref<8x2048x2048xf32, #tpu.memory_space<hbm>> -> memref<8x2x2048xf32, #tpu.memory_space<hbm>>
      %dma_wait3A_202 = arith.constant 0 : i32
      %dma_wait3A_203 = arith.constant 0 : i32
      %dma_wait3A_204 = arith.constant 0 : i32
      %dma_wait3A_205 = tpu.memref_slice %arg6[%dma_wait3A, %dma_wait3A_202, %dma_wait3A_203, %dma_wait3A_204] : memref<2x8x2x2048xf32, #tpu.memory_space<vmem>> -> memref<1x8x2x2048xf32, #tpu.memory_space<vmem>>
      %dma_wait3A_206 = tpu.memref_squeeze %dma_wait3A_205 : memref<1x8x2x2048xf32, #tpu.memory_space<vmem>> -> memref<8x2x2048xf32, #tpu.memory_space<vmem>>
      %dma_wait3A_207 = arith.constant 0 : i32
      %dma_wait3A_208 = arith.constant 0 : i32
      %dma_wait3A_209 = arith.constant 0 : i32
      %dma_wait3A_210 = tpu.memref_slice %arg2[%dma_wait3A_207, %dma_wait3A_208, %dma_wait3A_209] : memref<8x2048x2048xf32, #tpu.memory_space<hbm>> -> memref<8x2x2048xf32, #tpu.memory_space<hbm>>
      tpu.wait_dma2 semaphore(%arg8 : memref<!tpu.dma_semaphore, #tpu.memory_space<semaphore_mem>>) src(%dma_wait3A_210 : memref<8x2x2048xf32, #tpu.memory_space<hbm>>) dst(%dma_wait3A_206 : memref<8x2x2048xf32, #tpu.memory_space<vmem>>)
      %mul3A_211 = arith.constant 2 : i32
      %mul3A_212 = arith.muli %add3A_188, %mul3A_211 : i32
      %add3A_213 = arith.addi %mul3A_2, %mul3A_212 : i32
      %scan3A_214 = arith.constant 0 : i32
      %scan3A_215 = arith.constant 0 : i32
      %scan3A_216 = arith.constant 128 : i32
      %scan3A_217 = arith.addi %scan3A_215, %scan3A_216 : i32
      %scan3A_218 = arith.constant 1 : i32
      scf.for %scan3A_269 = %scan3A_215 to %scan3A_217 step %scan3A_218  : i32 {
        %mul3A_270 = arith.constant 16 : i32
        %mul3A_271 = arith.muli %scan3A_269, %mul3A_270 : i32
        %get3A_272 = arith.constant 0 : i32
        %get3A_273 = arith.constant 0 : i32
        %get3A_274 = arith.constant 0 : i32
        %get3A_275 = arith.index_cast %get3A_272 : i32 to index
        %get3A_276 = arith.index_cast %get3A_273 : i32 to index
        %get3A_277 = arith.index_cast %get3A_274 : i32 to index
        %get3A_278 = arith.index_cast %mul3A_271 : i32 to index
        %get3A_279 = tpu.vector_load %arg6[%get3A_275, %get3A_276, %get3A_277, %get3A_278] {strides = array<i32>} : memref<2x8x2x2048xf32, #tpu.memory_space<vmem>>, vector<1x1x1x16xf32>,
        %get3A_280 = vector.shape_cast %get3A_279 : vector<1x1x1x16xf32> to vector<16xf32>
        %mul3A_281 = arith.mulf %get3A_6, %get3A_280 : vector<16xf32>
        %get3A_282 = arith.constant 0 : i32
        %get3A_283 = arith.constant 1 : i32
        %get3A_284 = arith.constant 0 : i32
        %get3A_285 = arith.index_cast %get3A_282 : i32 to index
        %get3A_286 = arith.index_cast %get3A_283 : i32 to index
        %get3A_287 = arith.index_cast %get3A_284 : i32 to index
        %get3A_288 = arith.index_cast %mul3A_271 : i32 to index
        %get3A_289 = tpu.vector_load %arg6[%get3A_285, %get3A_286, %get3A_287, %get3A_288] {strides = array<i32>} : memref<2x8x2x2048xf32, #tpu.memory_space<vmem>>, vector<1x1x1x16xf32>,
        %get3A_290 = vector.shape_cast %get3A_289 : vector<1x1x1x16xf32> to vector<16xf32>
        %mul3A_291 = arith.mulf %get3A_11, %get3A_290 : vector<16xf32>
        %add3A_292 = arith.addf %mul3A_281, %mul3A_291 : vector<16xf32>
        %get3A_293 = arith.constant 0 : i32
        %get3A_294 = arith.constant 2 : i32
        %get3A_295 = arith.constant 0 : i32
        %get3A_296 = arith.index_cast %get3A_293 : i32 to index
        %get3A_297 = arith.index_cast %get3A_294 : i32 to index
        %get3A_298 = arith.index_cast %get3A_295 : i32 to index
        %get3A_299 = arith.index_cast %mul3A_271 : i32 to index
        %get3A_300 = tpu.vector_load %arg6[%get3A_296, %get3A_297, %get3A_298, %get3A_299] {strides = array<i32>} : memref<2x8x2x2048xf32, #tpu.memory_space<vmem>>, vector<1x1x1x16xf32>,
        %get3A_301 = vector.shape_cast %get3A_300 : vector<1x1x1x16xf32> to vector<16xf32>
        %mul3A_302 = arith.mulf %get3A_16, %get3A_301 : vector<16xf32>
        %add3A_303 = arith.addf %add3A_292, %mul3A_302 : vector<16xf32>
        %get3A_304 = arith.constant 0 : i32
        %get3A_305 = arith.constant 3 : i32
        %get3A_306 = arith.constant 0 : i32
        %get3A_307 = arith.index_cast %get3A_304 : i32 to index
        %get3A_308 = arith.index_cast %get3A_305 : i32 to index
        %get3A_309 = arith.index_cast %get3A_306 : i32 to index
        %get3A_310 = arith.index_cast %mul3A_271 : i32 to index
        %get3A_311 = tpu.vector_load %arg6[%get3A_307, %get3A_308, %get3A_309, %get3A_310] {strides = array<i32>} : memref<2x8x2x2048xf32, #tpu.memory_space<vmem>>, vector<1x1x1x16xf32>,
        %get3A_312 = vector.shape_cast %get3A_311 : vector<1x1x1x16xf32> to vector<16xf32>
        %mul3A_313 = arith.mulf %get3A_21, %get3A_312 : vector<16xf32>
        %add3A_314 = arith.addf %add3A_303, %mul3A_313 : vector<16xf32>
        %get3A_315 = arith.constant 0 : i32
        %get3A_316 = arith.constant 4 : i32
        %get3A_317 = arith.constant 0 : i32
        %get3A_318 = arith.index_cast %get3A_315 : i32 to index
        %get3A_319 = arith.index_cast %get3A_316 : i32 to index
        %get3A_320 = arith.index_cast %get3A_317 : i32 to index
        %get3A_321 = arith.index_cast %mul3A_271 : i32 to index
        %get3A_322 = tpu.vector_load %arg6[%get3A_318, %get3A_319, %get3A_320, %get3A_321] {strides = array<i32>} : memref<2x8x2x2048xf32, #tpu.memory_space<vmem>>, vector<1x1x1x16xf32>,
        %get3A_323 = vector.shape_cast %get3A_322 : vector<1x1x1x16xf32> to vector<16xf32>
        %mul3A_324 = arith.mulf %get3A_26, %get3A_323 : vector<16xf32>
        %add3A_325 = arith.addf %add3A_314, %mul3A_324 : vector<16xf32>
        %get3A_326 = arith.constant 0 : i32
        %get3A_327 = arith.constant 5 : i32
        %get3A_328 = arith.constant 0 : i32
        %get3A_329 = arith.index_cast %get3A_326 : i32 to index
        %get3A_330 = arith.index_cast %get3A_327 : i32 to index
        %get3A_331 = arith.index_cast %get3A_328 : i32 to index
        %get3A_332 = arith.index_cast %mul3A_271 : i32 to index
        %get3A_333 = tpu.vector_load %arg6[%get3A_329, %get3A_330, %get3A_331, %get3A_332] {strides = array<i32>} : memref<2x8x2x2048xf32, #tpu.memory_space<vmem>>, vector<1x1x1x16xf32>,
        %get3A_334 = vector.shape_cast %get3A_333 : vector<1x1x1x16xf32> to vector<16xf32>
        %mul3A_335 = arith.mulf %get3A_31, %get3A_334 : vector<16xf32>
        %add3A_336 = arith.addf %add3A_325, %mul3A_335 : vector<16xf32>
        %get3A_337 = arith.constant 0 : i32
        %get3A_338 = arith.constant 6 : i32
        %get3A_339 = arith.constant 0 : i32
        %get3A_340 = arith.index_cast %get3A_337 : i32 to index
        %get3A_341 = arith.index_cast %get3A_338 : i32 to index
        %get3A_342 = arith.index_cast %get3A_339 : i32 to index
        %get3A_343 = arith.index_cast %mul3A_271 : i32 to index
        %get3A_344 = tpu.vector_load %arg6[%get3A_340, %get3A_341, %get3A_342, %get3A_343] {strides = array<i32>} : memref<2x8x2x2048xf32, #tpu.memory_space<vmem>>, vector<1x1x1x16xf32>,
        %get3A_345 = vector.shape_cast %get3A_344 : vector<1x1x1x16xf32> to vector<16xf32>
        %mul3A_346 = arith.mulf %get3A_36, %get3A_345 : vector<16xf32>
        %add3A_347 = arith.addf %add3A_336, %mul3A_346 : vector<16xf32>
        %get3A_348 = arith.constant 0 : i32
        %get3A_349 = arith.constant 7 : i32
        %get3A_350 = arith.constant 0 : i32
        %get3A_351 = arith.index_cast %get3A_348 : i32 to index
        %get3A_352 = arith.index_cast %get3A_349 : i32 to index
        %get3A_353 = arith.index_cast %get3A_350 : i32 to index
        %get3A_354 = arith.index_cast %mul3A_271 : i32 to index
        %get3A_355 = tpu.vector_load %arg6[%get3A_351, %get3A_352, %get3A_353, %get3A_354] {strides = array<i32>} : memref<2x8x2x2048xf32, #tpu.memory_space<vmem>>, vector<1x1x1x16xf32>,
        %get3A_356 = vector.shape_cast %get3A_355 : vector<1x1x1x16xf32> to vector<16xf32>
        %mul3A_357 = arith.mulf %get3A_41, %get3A_356 : vector<16xf32>
        %add3A_358 = arith.addf %add3A_347, %mul3A_357 : vector<16xf32>
        %swap3A = arith.constant 0 : i32
        %swap3A_359 = arith.index_cast %swap3A : i32 to index
        %swap3A_360 = arith.index_cast %mul3A_271 : i32 to index
        %swap3A_361 = tpu.vector_load %arg7[%swap3A_359, %swap3A_360] {strides = array<i32>} : memref<2x2048xf32, #tpu.memory_space<vmem>>, vector<1x16xf32>,
        %swap3A_362 = vector.shape_cast %swap3A_361 : vector<1x16xf32> to vector<16xf32>
        %swap3A_363 = vector.shape_cast %add3A_358 : vector<16xf32> to vector<1x16xf32>
        tpu.vector_store %arg7[%swap3A_359, %swap3A_360], %swap3A_363 {strides = array<i32>} : memref<2x2048xf32, #tpu.memory_space<vmem>>, vector<1x16xf32>,
      }
      %scan3A_219 = arith.constant 128 : i32
      %scan3A_220 = arith.constant 0 : i32
      %scan3A_221 = arith.constant 0 : i32
      %scan3A_222 = arith.constant 128 : i32
      %scan3A_223 = arith.addi %scan3A_221, %scan3A_222 : i32
      %scan3A_224 = arith.constant 1 : i32
      scf.for %scan3A_269 = %scan3A_221 to %scan3A_223 step %scan3A_224  : i32 {
        %mul3A_270 = arith.constant 16 : i32
        %mul3A_271 = arith.muli %scan3A_269, %mul3A_270 : i32
        %get3A_272 = arith.constant 0 : i32
        %get3A_273 = arith.constant 0 : i32
        %get3A_274 = arith.constant 1 : i32
        %get3A_275 = arith.index_cast %get3A_272 : i32 to index
        %get3A_276 = arith.index_cast %get3A_273 : i32 to index
        %get3A_277 = arith.index_cast %get3A_274 : i32 to index
        %get3A_278 = arith.index_cast %mul3A_271 : i32 to index
        %get3A_279 = tpu.vector_load %arg6[%get3A_275, %get3A_276, %get3A_277, %get3A_278] {strides = array<i32>} : memref<2x8x2x2048xf32, #tpu.memory_space<vmem>>, vector<1x1x1x16xf32>,
        %get3A_280 = vector.shape_cast %get3A_279 : vector<1x1x1x16xf32> to vector<16xf32>
        %mul3A_281 = arith.mulf %get3A_6, %get3A_280 : vector<16xf32>
        %get3A_282 = arith.constant 0 : i32
        %get3A_283 = arith.constant 1 : i32
        %get3A_284 = arith.constant 1 : i32
        %get3A_285 = arith.index_cast %get3A_282 : i32 to index
        %get3A_286 = arith.index_cast %get3A_283 : i32 to index
        %get3A_287 = arith.index_cast %get3A_284 : i32 to index
        %get3A_288 = arith.index_cast %mul3A_271 : i32 to index
        %get3A_289 = tpu.vector_load %arg6[%get3A_285, %get3A_286, %get3A_287, %get3A_288] {strides = array<i32>} : memref<2x8x2x2048xf32, #tpu.memory_space<vmem>>, vector<1x1x1x16xf32>,
        %get3A_290 = vector.shape_cast %get3A_289 : vector<1x1x1x16xf32> to vector<16xf32>
        %mul3A_291 = arith.mulf %get3A_11, %get3A_290 : vector<16xf32>
        %add3A_292 = arith.addf %mul3A_281, %mul3A_291 : vector<16xf32>
        %get3A_293 = arith.constant 0 : i32
        %get3A_294 = arith.constant 2 : i32
        %get3A_295 = arith.constant 1 : i32
        %get3A_296 = arith.index_cast %get3A_293 : i32 to index
        %get3A_297 = arith.index_cast %get3A_294 : i32 to index
        %get3A_298 = arith.index_cast %get3A_295 : i32 to index
        %get3A_299 = arith.index_cast %mul3A_271 : i32 to index
        %get3A_300 = tpu.vector_load %arg6[%get3A_296, %get3A_297, %get3A_298, %get3A_299] {strides = array<i32>} : memref<2x8x2x2048xf32, #tpu.memory_space<vmem>>, vector<1x1x1x16xf32>,
        %get3A_301 = vector.shape_cast %get3A_300 : vector<1x1x1x16xf32> to vector<16xf32>
        %mul3A_302 = arith.mulf %get3A_16, %get3A_301 : vector<16xf32>
        %add3A_303 = arith.addf %add3A_292, %mul3A_302 : vector<16xf32>
        %get3A_304 = arith.constant 0 : i32
        %get3A_305 = arith.constant 3 : i32
        %get3A_306 = arith.constant 1 : i32
        %get3A_307 = arith.index_cast %get3A_304 : i32 to index
        %get3A_308 = arith.index_cast %get3A_305 : i32 to index
        %get3A_309 = arith.index_cast %get3A_306 : i32 to index
        %get3A_310 = arith.index_cast %mul3A_271 : i32 to index
        %get3A_311 = tpu.vector_load %arg6[%get3A_307, %get3A_308, %get3A_309, %get3A_310] {strides = array<i32>} : memref<2x8x2x2048xf32, #tpu.memory_space<vmem>>, vector<1x1x1x16xf32>,
        %get3A_312 = vector.shape_cast %get3A_311 : vector<1x1x1x16xf32> to vector<16xf32>
        %mul3A_313 = arith.mulf %get3A_21, %get3A_312 : vector<16xf32>
        %add3A_314 = arith.addf %add3A_303, %mul3A_313 : vector<16xf32>
        %get3A_315 = arith.constant 0 : i32
        %get3A_316 = arith.constant 4 : i32
        %get3A_317 = arith.constant 1 : i32
        %get3A_318 = arith.index_cast %get3A_315 : i32 to index
        %get3A_319 = arith.index_cast %get3A_316 : i32 to index
        %get3A_320 = arith.index_cast %get3A_317 : i32 to index
        %get3A_321 = arith.index_cast %mul3A_271 : i32 to index
        %get3A_322 = tpu.vector_load %arg6[%get3A_318, %get3A_319, %get3A_320, %get3A_321] {strides = array<i32>} : memref<2x8x2x2048xf32, #tpu.memory_space<vmem>>, vector<1x1x1x16xf32>,
        %get3A_323 = vector.shape_cast %get3A_322 : vector<1x1x1x16xf32> to vector<16xf32>
        %mul3A_324 = arith.mulf %get3A_26, %get3A_323 : vector<16xf32>
        %add3A_325 = arith.addf %add3A_314, %mul3A_324 : vector<16xf32>
        %get3A_326 = arith.constant 0 : i32
        %get3A_327 = arith.constant 5 : i32
        %get3A_328 = arith.constant 1 : i32
        %get3A_329 = arith.index_cast %get3A_326 : i32 to index
        %get3A_330 = arith.index_cast %get3A_327 : i32 to index
        %get3A_331 = arith.index_cast %get3A_328 : i32 to index
        %get3A_332 = arith.index_cast %mul3A_271 : i32 to index
        %get3A_333 = tpu.vector_load %arg6[%get3A_329, %get3A_330, %get3A_331, %get3A_332] {strides = array<i32>} : memref<2x8x2x2048xf32, #tpu.memory_space<vmem>>, vector<1x1x1x16xf32>,
        %get3A_334 = vector.shape_cast %get3A_333 : vector<1x1x1x16xf32> to vector<16xf32>
        %mul3A_335 = arith.mulf %get3A_31, %get3A_334 : vector<16xf32>
        %add3A_336 = arith.addf %add3A_325, %mul3A_335 : vector<16xf32>
        %get3A_337 = arith.constant 0 : i32
        %get3A_338 = arith.constant 6 : i32
        %get3A_339 = arith.constant 1 : i32
        %get3A_340 = arith.index_cast %get3A_337 : i32 to index
        %get3A_341 = arith.index_cast %get3A_338 : i32 to index
        %get3A_342 = arith.index_cast %get3A_339 : i32 to index
        %get3A_343 = arith.index_cast %mul3A_271 : i32 to index
        %get3A_344 = tpu.vector_load %arg6[%get3A_340, %get3A_341, %get3A_342, %get3A_343] {strides = array<i32>} : memref<2x8x2x2048xf32, #tpu.memory_space<vmem>>, vector<1x1x1x16xf32>,
        %get3A_345 = vector.shape_cast %get3A_344 : vector<1x1x1x16xf32> to vector<16xf32>
        %mul3A_346 = arith.mulf %get3A_36, %get3A_345 : vector<16xf32>
        %add3A_347 = arith.addf %add3A_336, %mul3A_346 : vector<16xf32>
        %get3A_348 = arith.constant 0 : i32
        %get3A_349 = arith.constant 7 : i32
        %get3A_350 = arith.constant 1 : i32
        %get3A_351 = arith.index_cast %get3A_348 : i32 to index
        %get3A_352 = arith.index_cast %get3A_349 : i32 to index
        %get3A_353 = arith.index_cast %get3A_350 : i32 to index
        %get3A_354 = arith.index_cast %mul3A_271 : i32 to index
        %get3A_355 = tpu.vector_load %arg6[%get3A_351, %get3A_352, %get3A_353, %get3A_354] {strides = array<i32>} : memref<2x8x2x2048xf32, #tpu.memory_space<vmem>>, vector<1x1x1x16xf32>,
        %get3A_356 = vector.shape_cast %get3A_355 : vector<1x1x1x16xf32> to vector<16xf32>
        %mul3A_357 = arith.mulf %get3A_41, %get3A_356 : vector<16xf32>
        %add3A_358 = arith.addf %add3A_347, %mul3A_357 : vector<16xf32>
        %swap3A = arith.constant 1 : i32
        %swap3A_359 = arith.index_cast %swap3A : i32 to index
        %swap3A_360 = arith.index_cast %mul3A_271 : i32 to index
        %swap3A_361 = tpu.vector_load %arg7[%swap3A_359, %swap3A_360] {strides = array<i32>} : memref<2x2048xf32, #tpu.memory_space<vmem>>, vector<1x16xf32>,
        %swap3A_362 = vector.shape_cast %swap3A_361 : vector<1x16xf32> to vector<16xf32>
        %swap3A_363 = vector.shape_cast %add3A_358 : vector<16xf32> to vector<1x16xf32>
        tpu.vector_store %arg7[%swap3A_359, %swap3A_360], %swap3A_363 {strides = array<i32>} : memref<2x2048xf32, #tpu.memory_space<vmem>>, vector<1x16xf32>,
      }
      %scan3A_225 = arith.constant 128 : i32
      "tpu.region"() ({
        %run_scoped3A = tpu.sem_alloc : memref<!tpu.dma_semaphore, #tpu.memory_space<semaphore_mem>>
        %dma_start3A_269 = arith.constant 0 : i32
        %dma_start3A_270 = tpu.memref_slice %arg4[%add3A_213, %dma_start3A_269] : memref<2048x2048xf32, #tpu.memory_space<hbm>> -> memref<2x2048xf32, #tpu.memory_space<hbm>>
        %dma_start3A_271 = arith.constant 0 : i32
        %dma_start3A_272 = tpu.memref_slice %arg4[%add3A_213, %dma_start3A_271] : memref<2048x2048xf32, #tpu.memory_space<hbm>> -> memref<2x2048xf32, #tpu.memory_space<hbm>>
        tpu.enqueue_dma source(%arg7 : memref<2x2048xf32, #tpu.memory_space<vmem>>) target(%dma_start3A_272 : memref<2x2048xf32, #tpu.memory_space<hbm>>) target_semaphore(%run_scoped3A : memref<!tpu.dma_semaphore, #tpu.memory_space<semaphore_mem>>)
        %dma_wait3A_273 = arith.constant 0 : i32
        %dma_wait3A_274 = tpu.memref_slice %arg4[%add3A_213, %dma_wait3A_273] : memref<2048x2048xf32, #tpu.memory_space<hbm>> -> memref<2x2048xf32, #tpu.memory_space<hbm>>
        %dma_wait3A_275 = arith.constant 0 : i32
        %dma_wait3A_276 = tpu.memref_slice %arg4[%add3A_213, %dma_wait3A_275] : memref<2048x2048xf32, #tpu.memory_space<hbm>> -> memref<2x2048xf32, #tpu.memory_space<hbm>>
        tpu.wait_dma2 semaphore(%run_scoped3A : memref<!tpu.dma_semaphore, #tpu.memory_space<semaphore_mem>>) src(%arg7 : memref<2x2048xf32, #tpu.memory_space<vmem>>) dst(%dma_wait3A_276 : memref<2x2048xf32, #tpu.memory_space<hbm>>)
        tpu.yield
      }) : () -> ()
      %add3A_226 = arith.constant 1 : i32
      %add3A_227 = arith.addi %mul3A_186, %add3A_226 : i32
      %add3A_228 = arith.constant 1 : i32
      %add3A_229 = arith.addi %add3A_227, %add3A_228 : i32
      %lt3A_230 = arith.constant 32 : i32
      %lt3A_231 = arith.cmpi slt, %add3A_229, %lt3A_230 : i32
      %convert_element_type3A_232 = arith.extui %lt3A_231 : i1 to i32
      %cond3A_233 = arith.constant 0 : i32
      %cond3A_234 = arith.cmpi ne, %convert_element_type3A_232, %cond3A_233 : i32
      scf.if %cond3A_234 {
        %mul3A_269 = arith.constant 2 : i32
        %mul3A_270 = arith.muli %add3A_229, %mul3A_269 : i32
        %add3A_271 = arith.addi %mul3A_2, %mul3A_270 : i32
        %dma_start3A_272 = arith.constant 0 : i32
        %dma_start3A_273 = arith.constant 0 : i32
        %dma_start3A_274 = arith.constant 0 : i32
        %dma_start3A_275 = arith.constant 0 : i32
        %dma_start3A_276 = arith.constant 0 : i32
        %dma_start3A_277 = tpu.memref_slice %arg6[%dma_start3A_273, %dma_start3A_274, %dma_start3A_275, %dma_start3A_276] : memref<2x8x2x2048xf32, #tpu.memory_space<vmem>> -> memref<1x1x2x2048xf32, #tpu.memory_space<vmem>>
        %dma_start3A_278 = tpu.memref_squeeze %dma_start3A_277 : memref<1x1x2x2048xf32, #tpu.memory_space<vmem>> -> memref<2x2048xf32, #tpu.memory_space<vmem>>
        %dma_start3A_279 = arith.constant 0 : i32
        %dma_start3A_280 = tpu.memref_slice %arg2[%dma_start3A_272, %add3A_271, %dma_start3A_279] : memref<8x2048x2048xf32, #tpu.memory_space<hbm>> -> memref<1x2x2048xf32, #tpu.memory_space<hbm>>
        %dma_start3A_281 = tpu.memref_squeeze %dma_start3A_280 : memref<1x2x2048xf32, #tpu.memory_space<hbm>> -> memref<2x2048xf32, #tpu.memory_space<hbm>>
        %dma_start3A_282 = arith.constant 0 : i32
        %dma_start3A_283 = arith.constant 0 : i32
        %dma_start3A_284 = tpu.memref_slice %arg6[%dma_start3A_273, %dma_start3A_274, %dma_start3A_282, %dma_start3A_283] : memref<2x8x2x2048xf32, #tpu.memory_space<vmem>> -> memref<1x1x2x2048xf32, #tpu.memory_space<vmem>>
        %dma_start3A_285 = tpu.memref_squeeze %dma_start3A_284 : memref<1x1x2x2048xf32, #tpu.memory_space<vmem>> -> memref<2x2048xf32, #tpu.memory_space<vmem>>
        %dma_start3A_286 = arith.constant 0 : i32
        %dma_start3A_287 = tpu.memref_slice %arg2[%dma_start3A_272, %add3A_271, %dma_start3A_286] : memref<8x2048x2048xf32, #tpu.memory_space<hbm>> -> memref<1x2x2048xf32, #tpu.memory_space<hbm>>
        %dma_start3A_288 = tpu.memref_squeeze %dma_start3A_287 : memref<1x2x2048xf32, #tpu.memory_space<hbm>> -> memref<2x2048xf32, #tpu.memory_space<hbm>>
        tpu.enqueue_dma source(%dma_start3A_288 : memref<2x2048xf32, #tpu.memory_space<hbm>>) target(%dma_start3A_285 : memref<2x2048xf32, #tpu.memory_space<vmem>>) target_semaphore(%arg8 : memref<!tpu.dma_semaphore, #tpu.memory_space<semaphore_mem>>)
        %dma_start3A_289 = arith.constant 1 : i32
        %dma_start3A_290 = arith.constant 0 : i32
        %dma_start3A_291 = arith.constant 1 : i32
        %dma_start3A_292 = arith.constant 0 : i32
        %dma_start3A_293 = arith.constant 0 : i32
        %dma_start3A_294 = tpu.memref_slice %arg6[%dma_start3A_290, %dma_start3A_291, %dma_start3A_292, %dma_start3A_293] : memref<2x8x2x2048xf32, #tpu.memory_space<vmem>> -> memref<1x1x2x2048xf32, #tpu.memory_space<vmem>>
        %dma_start3A_295 = tpu.memref_squeeze %dma_start3A_294 : memref<1x1x2x2048xf32, #tpu.memory_space<vmem>> -> memref<2x2048xf32, #tpu.memory_space<vmem>>
        %dma_start3A_296 = arith.constant 0 : i32
        %dma_start3A_297 = tpu.memref_slice %arg2[%dma_start3A_289, %add3A_271, %dma_start3A_296] : memref<8x2048x2048xf32, #tpu.memory_space<hbm>> -> memref<1x2x2048xf32, #tpu.memory_space<hbm>>
        %dma_start3A_298 = tpu.memref_squeeze %dma_start3A_297 : memref<1x2x2048xf32, #tpu.memory_space<hbm>> -> memref<2x2048xf32, #tpu.memory_space<hbm>>
        %dma_start3A_299 = arith.constant 0 : i32
        %dma_start3A_300 = arith.constant 0 : i32
        %dma_start3A_301 = tpu.memref_slice %arg6[%dma_start3A_290, %dma_start3A_291, %dma_start3A_299, %dma_start3A_300] : memref<2x8x2x2048xf32, #tpu.memory_space<vmem>> -> memref<1x1x2x2048xf32, #tpu.memory_space<vmem>>
        %dma_start3A_302 = tpu.memref_squeeze %dma_start3A_301 : memref<1x1x2x2048xf32, #tpu.memory_space<vmem>> -> memref<2x2048xf32, #tpu.memory_space<vmem>>
        %dma_start3A_303 = arith.constant 0 : i32
        %dma_start3A_304 = tpu.memref_slice %arg2[%dma_start3A_289, %add3A_271, %dma_start3A_303] : memref<8x2048x2048xf32, #tpu.memory_space<hbm>> -> memref<1x2x2048xf32, #tpu.memory_space<hbm>>
        %dma_start3A_305 = tpu.memref_squeeze %dma_start3A_304 : memref<1x2x2048xf32, #tpu.memory_space<hbm>> -> memref<2x2048xf32, #tpu.memory_space<hbm>>
        tpu.enqueue_dma source(%dma_start3A_305 : memref<2x2048xf32, #tpu.memory_space<hbm>>) target(%dma_start3A_302 : memref<2x2048xf32, #tpu.memory_space<vmem>>) target_semaphore(%arg8 : memref<!tpu.dma_semaphore, #tpu.memory_space<semaphore_mem>>)
        %dma_start3A_306 = arith.constant 2 : i32
        %dma_start3A_307 = arith.constant 0 : i32
        %dma_start3A_308 = arith.constant 2 : i32
        %dma_start3A_309 = arith.constant 0 : i32
        %dma_start3A_310 = arith.constant 0 : i32
        %dma_start3A_311 = tpu.memref_slice %arg6[%dma_start3A_307, %dma_start3A_308, %dma_start3A_309, %dma_start3A_310] : memref<2x8x2x2048xf32, #tpu.memory_space<vmem>> -> memref<1x1x2x2048xf32, #tpu.memory_space<vmem>>
        %dma_start3A_312 = tpu.memref_squeeze %dma_start3A_311 : memref<1x1x2x2048xf32, #tpu.memory_space<vmem>> -> memref<2x2048xf32, #tpu.memory_space<vmem>>
        %dma_start3A_313 = arith.constant 0 : i32
        %dma_start3A_314 = tpu.memref_slice %arg2[%dma_start3A_306, %add3A_271, %dma_start3A_313] : memref<8x2048x2048xf32, #tpu.memory_space<hbm>> -> memref<1x2x2048xf32, #tpu.memory_space<hbm>>
        %dma_start3A_315 = tpu.memref_squeeze %dma_start3A_314 : memref<1x2x2048xf32, #tpu.memory_space<hbm>> -> memref<2x2048xf32, #tpu.memory_space<hbm>>
        %dma_start3A_316 = arith.constant 0 : i32
        %dma_start3A_317 = arith.constant 0 : i32
        %dma_start3A_318 = tpu.memref_slice %arg6[%dma_start3A_307, %dma_start3A_308, %dma_start3A_316, %dma_start3A_317] : memref<2x8x2x2048xf32, #tpu.memory_space<vmem>> -> memref<1x1x2x2048xf32, #tpu.memory_space<vmem>>
        %dma_start3A_319 = tpu.memref_squeeze %dma_start3A_318 : memref<1x1x2x2048xf32, #tpu.memory_space<vmem>> -> memref<2x2048xf32, #tpu.memory_space<vmem>>
        %dma_start3A_320 = arith.constant 0 : i32
        %dma_start3A_321 = tpu.memref_slice %arg2[%dma_start3A_306, %add3A_271, %dma_start3A_320] : memref<8x2048x2048xf32, #tpu.memory_space<hbm>> -> memref<1x2x2048xf32, #tpu.memory_space<hbm>>
        %dma_start3A_322 = tpu.memref_squeeze %dma_start3A_321 : memref<1x2x2048xf32, #tpu.memory_space<hbm>> -> memref<2x2048xf32, #tpu.memory_space<hbm>>
        tpu.enqueue_dma source(%dma_start3A_322 : memref<2x2048xf32, #tpu.memory_space<hbm>>) target(%dma_start3A_319 : memref<2x2048xf32, #tpu.memory_space<vmem>>) target_semaphore(%arg8 : memref<!tpu.dma_semaphore, #tpu.memory_space<semaphore_mem>>)
        %dma_start3A_323 = arith.constant 3 : i32
        %dma_start3A_324 = arith.constant 0 : i32
        %dma_start3A_325 = arith.constant 3 : i32
        %dma_start3A_326 = arith.constant 0 : i32
        %dma_start3A_327 = arith.constant 0 : i32
        %dma_start3A_328 = tpu.memref_slice %arg6[%dma_start3A_324, %dma_start3A_325, %dma_start3A_326, %dma_start3A_327] : memref<2x8x2x2048xf32, #tpu.memory_space<vmem>> -> memref<1x1x2x2048xf32, #tpu.memory_space<vmem>>
        %dma_start3A_329 = tpu.memref_squeeze %dma_start3A_328 : memref<1x1x2x2048xf32, #tpu.memory_space<vmem>> -> memref<2x2048xf32, #tpu.memory_space<vmem>>
        %dma_start3A_330 = arith.constant 0 : i32
        %dma_start3A_331 = tpu.memref_slice %arg2[%dma_start3A_323, %add3A_271, %dma_start3A_330] : memref<8x2048x2048xf32, #tpu.memory_space<hbm>> -> memref<1x2x2048xf32, #tpu.memory_space<hbm>>
        %dma_start3A_332 = tpu.memref_squeeze %dma_start3A_331 : memref<1x2x2048xf32, #tpu.memory_space<hbm>> -> memref<2x2048xf32, #tpu.memory_space<hbm>>
        %dma_start3A_333 = arith.constant 0 : i32
        %dma_start3A_334 = arith.constant 0 : i32
        %dma_start3A_335 = tpu.memref_slice %arg6[%dma_start3A_324, %dma_start3A_325, %dma_start3A_333, %dma_start3A_334] : memref<2x8x2x2048xf32, #tpu.memory_space<vmem>> -> memref<1x1x2x2048xf32, #tpu.memory_space<vmem>>
        %dma_start3A_336 = tpu.memref_squeeze %dma_start3A_335 : memref<1x1x2x2048xf32, #tpu.memory_space<vmem>> -> memref<2x2048xf32, #tpu.memory_space<vmem>>
        %dma_start3A_337 = arith.constant 0 : i32
        %dma_start3A_338 = tpu.memref_slice %arg2[%dma_start3A_323, %add3A_271, %dma_start3A_337] : memref<8x2048x2048xf32, #tpu.memory_space<hbm>> -> memref<1x2x2048xf32, #tpu.memory_space<hbm>>
        %dma_start3A_339 = tpu.memref_squeeze %dma_start3A_338 : memref<1x2x2048xf32, #tpu.memory_space<hbm>> -> memref<2x2048xf32, #tpu.memory_space<hbm>>
        tpu.enqueue_dma source(%dma_start3A_339 : memref<2x2048xf32, #tpu.memory_space<hbm>>) target(%dma_start3A_336 : memref<2x2048xf32, #tpu.memory_space<vmem>>) target_semaphore(%arg8 : memref<!tpu.dma_semaphore, #tpu.memory_space<semaphore_mem>>)
        %dma_start3A_340 = arith.constant 4 : i32
        %dma_start3A_341 = arith.constant 0 : i32
        %dma_start3A_342 = arith.constant 4 : i32
        %dma_start3A_343 = arith.constant 0 : i32
        %dma_start3A_344 = arith.constant 0 : i32
        %dma_start3A_345 = tpu.memref_slice %arg6[%dma_start3A_341, %dma_start3A_342, %dma_start3A_343, %dma_start3A_344] : memref<2x8x2x2048xf32, #tpu.memory_space<vmem>> -> memref<1x1x2x2048xf32, #tpu.memory_space<vmem>>
        %dma_start3A_346 = tpu.memref_squeeze %dma_start3A_345 : memref<1x1x2x2048xf32, #tpu.memory_space<vmem>> -> memref<2x2048xf32, #tpu.memory_space<vmem>>
        %dma_start3A_347 = arith.constant 0 : i32
        %dma_start3A_348 = tpu.memref_slice %arg2[%dma_start3A_340, %add3A_271, %dma_start3A_347] : memref<8x2048x2048xf32, #tpu.memory_space<hbm>> -> memref<1x2x2048xf32, #tpu.memory_space<hbm>>
        %dma_start3A_349 = tpu.memref_squeeze %dma_start3A_348 : memref<1x2x2048xf32, #tpu.memory_space<hbm>> -> memref<2x2048xf32, #tpu.memory_space<hbm>>
        %dma_start3A_350 = arith.constant 0 : i32
        %dma_start3A_351 = arith.constant 0 : i32
        %dma_start3A_352 = tpu.memref_slice %arg6[%dma_start3A_341, %dma_start3A_342, %dma_start3A_350, %dma_start3A_351] : memref<2x8x2x2048xf32, #tpu.memory_space<vmem>> -> memref<1x1x2x2048xf32, #tpu.memory_space<vmem>>
        %dma_start3A_353 = tpu.memref_squeeze %dma_start3A_352 : memref<1x1x2x2048xf32, #tpu.memory_space<vmem>> -> memref<2x2048xf32, #tpu.memory_space<vmem>>
        %dma_start3A_354 = arith.constant 0 : i32
        %dma_start3A_355 = tpu.memref_slice %arg2[%dma_start3A_340, %add3A_271, %dma_start3A_354] : memref<8x2048x2048xf32, #tpu.memory_space<hbm>> -> memref<1x2x2048xf32, #tpu.memory_space<hbm>>
        %dma_start3A_356 = tpu.memref_squeeze %dma_start3A_355 : memref<1x2x2048xf32, #tpu.memory_space<hbm>> -> memref<2x2048xf32, #tpu.memory_space<hbm>>
        tpu.enqueue_dma source(%dma_start3A_356 : memref<2x2048xf32, #tpu.memory_space<hbm>>) target(%dma_start3A_353 : memref<2x2048xf32, #tpu.memory_space<vmem>>) target_semaphore(%arg8 : memref<!tpu.dma_semaphore, #tpu.memory_space<semaphore_mem>>)
        %dma_start3A_357 = arith.constant 5 : i32
        %dma_start3A_358 = arith.constant 0 : i32
        %dma_start3A_359 = arith.constant 5 : i32
        %dma_start3A_360 = arith.constant 0 : i32
        %dma_start3A_361 = arith.constant 0 : i32
        %dma_start3A_362 = tpu.memref_slice %arg6[%dma_start3A_358, %dma_start3A_359, %dma_start3A_360, %dma_start3A_361] : memref<2x8x2x2048xf32, #tpu.memory_space<vmem>> -> memref<1x1x2x2048xf32, #tpu.memory_space<vmem>>
        %dma_start3A_363 = tpu.memref_squeeze %dma_start3A_362 : memref<1x1x2x2048xf32, #tpu.memory_space<vmem>> -> memref<2x2048xf32, #tpu.memory_space<vmem>>
        %dma_start3A_364 = arith.constant 0 : i32
        %dma_start3A_365 = tpu.memref_slice %arg2[%dma_start3A_357, %add3A_271, %dma_start3A_364] : memref<8x2048x2048xf32, #tpu.memory_space<hbm>> -> memref<1x2x2048xf32, #tpu.memory_space<hbm>>
        %dma_start3A_366 = tpu.memref_squeeze %dma_start3A_365 : memref<1x2x2048xf32, #tpu.memory_space<hbm>> -> memref<2x2048xf32, #tpu.memory_space<hbm>>
        %dma_start3A_367 = arith.constant 0 : i32
        %dma_start3A_368 = arith.constant 0 : i32
        %dma_start3A_369 = tpu.memref_slice %arg6[%dma_start3A_358, %dma_start3A_359, %dma_start3A_367, %dma_start3A_368] : memref<2x8x2x2048xf32, #tpu.memory_space<vmem>> -> memref<1x1x2x2048xf32, #tpu.memory_space<vmem>>
        %dma_start3A_370 = tpu.memref_squeeze %dma_start3A_369 : memref<1x1x2x2048xf32, #tpu.memory_space<vmem>> -> memref<2x2048xf32, #tpu.memory_space<vmem>>
        %dma_start3A_371 = arith.constant 0 : i32
        %dma_start3A_372 = tpu.memref_slice %arg2[%dma_start3A_357, %add3A_271, %dma_start3A_371] : memref<8x2048x2048xf32, #tpu.memory_space<hbm>> -> memref<1x2x2048xf32, #tpu.memory_space<hbm>>
        %dma_start3A_373 = tpu.memref_squeeze %dma_start3A_372 : memref<1x2x2048xf32, #tpu.memory_space<hbm>> -> memref<2x2048xf32, #tpu.memory_space<hbm>>
        tpu.enqueue_dma source(%dma_start3A_373 : memref<2x2048xf32, #tpu.memory_space<hbm>>) target(%dma_start3A_370 : memref<2x2048xf32, #tpu.memory_space<vmem>>) target_semaphore(%arg8 : memref<!tpu.dma_semaphore, #tpu.memory_space<semaphore_mem>>)
        %dma_start3A_374 = arith.constant 6 : i32
        %dma_start3A_375 = arith.constant 0 : i32
        %dma_start3A_376 = arith.constant 6 : i32
        %dma_start3A_377 = arith.constant 0 : i32
        %dma_start3A_378 = arith.constant 0 : i32
        %dma_start3A_379 = tpu.memref_slice %arg6[%dma_start3A_375, %dma_start3A_376, %dma_start3A_377, %dma_start3A_378] : memref<2x8x2x2048xf32, #tpu.memory_space<vmem>> -> memref<1x1x2x2048xf32, #tpu.memory_space<vmem>>
        %dma_start3A_380 = tpu.memref_squeeze %dma_start3A_379 : memref<1x1x2x2048xf32, #tpu.memory_space<vmem>> -> memref<2x2048xf32, #tpu.memory_space<vmem>>
        %dma_start3A_381 = arith.constant 0 : i32
        %dma_start3A_382 = tpu.memref_slice %arg2[%dma_start3A_374, %add3A_271, %dma_start3A_381] : memref<8x2048x2048xf32, #tpu.memory_space<hbm>> -> memref<1x2x2048xf32, #tpu.memory_space<hbm>>
        %dma_start3A_383 = tpu.memref_squeeze %dma_start3A_382 : memref<1x2x2048xf32, #tpu.memory_space<hbm>> -> memref<2x2048xf32, #tpu.memory_space<hbm>>
        %dma_start3A_384 = arith.constant 0 : i32
        %dma_start3A_385 = arith.constant 0 : i32
        %dma_start3A_386 = tpu.memref_slice %arg6[%dma_start3A_375, %dma_start3A_376, %dma_start3A_384, %dma_start3A_385] : memref<2x8x2x2048xf32, #tpu.memory_space<vmem>> -> memref<1x1x2x2048xf32, #tpu.memory_space<vmem>>
        %dma_start3A_387 = tpu.memref_squeeze %dma_start3A_386 : memref<1x1x2x2048xf32, #tpu.memory_space<vmem>> -> memref<2x2048xf32, #tpu.memory_space<vmem>>
        %dma_start3A_388 = arith.constant 0 : i32
        %dma_start3A_389 = tpu.memref_slice %arg2[%dma_start3A_374, %add3A_271, %dma_start3A_388] : memref<8x2048x2048xf32, #tpu.memory_space<hbm>> -> memref<1x2x2048xf32, #tpu.memory_space<hbm>>
        %dma_start3A_390 = tpu.memref_squeeze %dma_start3A_389 : memref<1x2x2048xf32, #tpu.memory_space<hbm>> -> memref<2x2048xf32, #tpu.memory_space<hbm>>
        tpu.enqueue_dma source(%dma_start3A_390 : memref<2x2048xf32, #tpu.memory_space<hbm>>) target(%dma_start3A_387 : memref<2x2048xf32, #tpu.memory_space<vmem>>) target_semaphore(%arg8 : memref<!tpu.dma_semaphore, #tpu.memory_space<semaphore_mem>>)
        %dma_start3A_391 = arith.constant 7 : i32
        %dma_start3A_392 = arith.constant 0 : i32
        %dma_start3A_393 = arith.constant 7 : i32
        %dma_start3A_394 = arith.constant 0 : i32
        %dma_start3A_395 = arith.constant 0 : i32
        %dma_start3A_396 = tpu.memref_slice %arg6[%dma_start3A_392, %dma_start3A_393, %dma_start3A_394, %dma_start3A_395] : memref<2x8x2x2048xf32, #tpu.memory_space<vmem>> -> memref<1x1x2x2048xf32, #tpu.memory_space<vmem>>
        %dma_start3A_397 = tpu.memref_squeeze %dma_start3A_396 : memref<1x1x2x2048xf32, #tpu.memory_space<vmem>> -> memref<2x2048xf32, #tpu.memory_space<vmem>>
        %dma_start3A_398 = arith.constant 0 : i32
        %dma_start3A_399 = tpu.memref_slice %arg2[%dma_start3A_391, %add3A_271, %dma_start3A_398] : memref<8x2048x2048xf32, #tpu.memory_space<hbm>> -> memref<1x2x2048xf32, #tpu.memory_space<hbm>>
        %dma_start3A_400 = tpu.memref_squeeze %dma_start3A_399 : memref<1x2x2048xf32, #tpu.memory_space<hbm>> -> memref<2x2048xf32, #tpu.memory_space<hbm>>
        %dma_start3A_401 = arith.constant 0 : i32
        %dma_start3A_402 = arith.constant 0 : i32
        %dma_start3A_403 = tpu.memref_slice %arg6[%dma_start3A_392, %dma_start3A_393, %dma_start3A_401, %dma_start3A_402] : memref<2x8x2x2048xf32, #tpu.memory_space<vmem>> -> memref<1x1x2x2048xf32, #tpu.memory_space<vmem>>
        %dma_start3A_404 = tpu.memref_squeeze %dma_start3A_403 : memref<1x1x2x2048xf32, #tpu.memory_space<vmem>> -> memref<2x2048xf32, #tpu.memory_space<vmem>>
        %dma_start3A_405 = arith.constant 0 : i32
        %dma_start3A_406 = tpu.memref_slice %arg2[%dma_start3A_391, %add3A_271, %dma_start3A_405] : memref<8x2048x2048xf32, #tpu.memory_space<hbm>> -> memref<1x2x2048xf32, #tpu.memory_space<hbm>>
        %dma_start3A_407 = tpu.memref_squeeze %dma_start3A_406 : memref<1x2x2048xf32, #tpu.memory_space<hbm>> -> memref<2x2048xf32, #tpu.memory_space<hbm>>
        tpu.enqueue_dma source(%dma_start3A_407 : memref<2x2048xf32, #tpu.memory_space<hbm>>) target(%dma_start3A_404 : memref<2x2048xf32, #tpu.memory_space<vmem>>) target_semaphore(%arg8 : memref<!tpu.dma_semaphore, #tpu.memory_space<semaphore_mem>>)
      } else {
      }
      %dma_wait3A_235 = arith.constant 1 : i32
      %dma_wait3A_236 = arith.constant 0 : i32
      %dma_wait3A_237 = arith.constant 0 : i32
      %dma_wait3A_238 = arith.constant 0 : i32
      %dma_wait3A_239 = tpu.memref_slice %arg6[%dma_wait3A_235, %dma_wait3A_236, %dma_wait3A_237, %dma_wait3A_238] : memref<2x8x2x2048xf32, #tpu.memory_space<vmem>> -> memref<1x8x2x2048xf32, #tpu.memory_space<vmem>>
      %dma_wait3A_240 = tpu.memref_squeeze %dma_wait3A_239 : memref<1x8x2x2048xf32, #tpu.memory_space<vmem>> -> memref<8x2x2048xf32, #tpu.memory_space<vmem>>
      %dma_wait3A_241 = arith.constant 0 : i32
      %dma_wait3A_242 = arith.constant 0 : i32
      %dma_wait3A_243 = arith.constant 0 : i32
      %dma_wait3A_244 = tpu.memref_slice %arg2[%dma_wait3A_241, %dma_wait3A_242, %dma_wait3A_243] : memref<8x2048x2048xf32, #tpu.memory_space<hbm>> -> memref<8x2x2048xf32, #tpu.memory_space<hbm>>
      %dma_wait3A_245 = arith.constant 0 : i32
      %dma_wait3A_246 = arith.constant 0 : i32
      %dma_wait3A_247 = arith.constant 0 : i32
      %dma_wait3A_248 = tpu.memref_slice %arg6[%dma_wait3A_235, %dma_wait3A_245, %dma_wait3A_246, %dma_wait3A_247] : memref<2x8x2x2048xf32, #tpu.memory_space<vmem>> -> memref<1x8x2x2048xf32, #tpu.memory_space<vmem>>
      %dma_wait3A_249 = tpu.memref_squeeze %dma_wait3A_248 : memref<1x8x2x2048xf32, #tpu.memory_space<vmem>> -> memref<8x2x2048xf32, #tpu.memory_space<vmem>>
      %dma_wait3A_250 = arith.constant 0 : i32
      %dma_wait3A_251 = arith.constant 0 : i32
      %dma_wait3A_252 = arith.constant 0 : i32
      %dma_wait3A_253 = tpu.memref_slice %arg2[%dma_wait3A_250, %dma_wait3A_251, %dma_wait3A_252] : memref<8x2048x2048xf32, #tpu.memory_space<hbm>> -> memref<8x2x2048xf32, #tpu.memory_space<hbm>>
      tpu.wait_dma2 semaphore(%arg9 : memref<!tpu.dma_semaphore, #tpu.memory_space<semaphore_mem>>) src(%dma_wait3A_253 : memref<8x2x2048xf32, #tpu.memory_space<hbm>>) dst(%dma_wait3A_249 : memref<8x2x2048xf32, #tpu.memory_space<vmem>>)
      %mul3A_254 = arith.constant 2 : i32
      %mul3A_255 = arith.muli %add3A_227, %mul3A_254 : i32
      %add3A_256 = arith.addi %mul3A_2, %mul3A_255 : i32
      %scan3A_257 = arith.constant 0 : i32
      %scan3A_258 = arith.constant 0 : i32
      %scan3A_259 = arith.constant 128 : i32
      %scan3A_260 = arith.addi %scan3A_258, %scan3A_259 : i32
      %scan3A_261 = arith.constant 1 : i32
      scf.for %scan3A_269 = %scan3A_258 to %scan3A_260 step %scan3A_261  : i32 {
        %mul3A_270 = arith.constant 16 : i32
        %mul3A_271 = arith.muli %scan3A_269, %mul3A_270 : i32
        %get3A_272 = arith.constant 1 : i32
        %get3A_273 = arith.constant 0 : i32
        %get3A_274 = arith.constant 0 : i32
        %get3A_275 = arith.index_cast %get3A_272 : i32 to index
        %get3A_276 = arith.index_cast %get3A_273 : i32 to index
        %get3A_277 = arith.index_cast %get3A_274 : i32 to index
        %get3A_278 = arith.index_cast %mul3A_271 : i32 to index
        %get3A_279 = tpu.vector_load %arg6[%get3A_275, %get3A_276, %get3A_277, %get3A_278] {strides = array<i32>} : memref<2x8x2x2048xf32, #tpu.memory_space<vmem>>, vector<1x1x1x16xf32>,
        %get3A_280 = vector.shape_cast %get3A_279 : vector<1x1x1x16xf32> to vector<16xf32>
        %mul3A_281 = arith.mulf %get3A_6, %get3A_280 : vector<16xf32>
        %get3A_282 = arith.constant 1 : i32
        %get3A_283 = arith.constant 1 : i32
        %get3A_284 = arith.constant 0 : i32
        %get3A_285 = arith.index_cast %get3A_282 : i32 to index
        %get3A_286 = arith.index_cast %get3A_283 : i32 to index
        %get3A_287 = arith.index_cast %get3A_284 : i32 to index
        %get3A_288 = arith.index_cast %mul3A_271 : i32 to index
        %get3A_289 = tpu.vector_load %arg6[%get3A_285, %get3A_286, %get3A_287, %get3A_288] {strides = array<i32>} : memref<2x8x2x2048xf32, #tpu.memory_space<vmem>>, vector<1x1x1x16xf32>,
        %get3A_290 = vector.shape_cast %get3A_289 : vector<1x1x1x16xf32> to vector<16xf32>
        %mul3A_291 = arith.mulf %get3A_11, %get3A_290 : vector<16xf32>
        %add3A_292 = arith.addf %mul3A_281, %mul3A_291 : vector<16xf32>
        %get3A_293 = arith.constant 1 : i32
        %get3A_294 = arith.constant 2 : i32
        %get3A_295 = arith.constant 0 : i32
        %get3A_296 = arith.index_cast %get3A_293 : i32 to index
        %get3A_297 = arith.index_cast %get3A_294 : i32 to index
        %get3A_298 = arith.index_cast %get3A_295 : i32 to index
        %get3A_299 = arith.index_cast %mul3A_271 : i32 to index
        %get3A_300 = tpu.vector_load %arg6[%get3A_296, %get3A_297, %get3A_298, %get3A_299] {strides = array<i32>} : memref<2x8x2x2048xf32, #tpu.memory_space<vmem>>, vector<1x1x1x16xf32>,
        %get3A_301 = vector.shape_cast %get3A_300 : vector<1x1x1x16xf32> to vector<16xf32>
        %mul3A_302 = arith.mulf %get3A_16, %get3A_301 : vector<16xf32>
        %add3A_303 = arith.addf %add3A_292, %mul3A_302 : vector<16xf32>
        %get3A_304 = arith.constant 1 : i32
        %get3A_305 = arith.constant 3 : i32
        %get3A_306 = arith.constant 0 : i32
        %get3A_307 = arith.index_cast %get3A_304 : i32 to index
        %get3A_308 = arith.index_cast %get3A_305 : i32 to index
        %get3A_309 = arith.index_cast %get3A_306 : i32 to index
        %get3A_310 = arith.index_cast %mul3A_271 : i32 to index
        %get3A_311 = tpu.vector_load %arg6[%get3A_307, %get3A_308, %get3A_309, %get3A_310] {strides = array<i32>} : memref<2x8x2x2048xf32, #tpu.memory_space<vmem>>, vector<1x1x1x16xf32>,
        %get3A_312 = vector.shape_cast %get3A_311 : vector<1x1x1x16xf32> to vector<16xf32>
        %mul3A_313 = arith.mulf %get3A_21, %get3A_312 : vector<16xf32>
        %add3A_314 = arith.addf %add3A_303, %mul3A_313 : vector<16xf32>
        %get3A_315 = arith.constant 1 : i32
        %get3A_316 = arith.constant 4 : i32
        %get3A_317 = arith.constant 0 : i32
        %get3A_318 = arith.index_cast %get3A_315 : i32 to index
        %get3A_319 = arith.index_cast %get3A_316 : i32 to index
        %get3A_320 = arith.index_cast %get3A_317 : i32 to index
        %get3A_321 = arith.index_cast %mul3A_271 : i32 to index
        %get3A_322 = tpu.vector_load %arg6[%get3A_318, %get3A_319, %get3A_320, %get3A_321] {strides = array<i32>} : memref<2x8x2x2048xf32, #tpu.memory_space<vmem>>, vector<1x1x1x16xf32>,
        %get3A_323 = vector.shape_cast %get3A_322 : vector<1x1x1x16xf32> to vector<16xf32>
        %mul3A_324 = arith.mulf %get3A_26, %get3A_323 : vector<16xf32>
        %add3A_325 = arith.addf %add3A_314, %mul3A_324 : vector<16xf32>
        %get3A_326 = arith.constant 1 : i32
        %get3A_327 = arith.constant 5 : i32
        %get3A_328 = arith.constant 0 : i32
        %get3A_329 = arith.index_cast %get3A_326 : i32 to index
        %get3A_330 = arith.index_cast %get3A_327 : i32 to index
        %get3A_331 = arith.index_cast %get3A_328 : i32 to index
        %get3A_332 = arith.index_cast %mul3A_271 : i32 to index
        %get3A_333 = tpu.vector_load %arg6[%get3A_329, %get3A_330, %get3A_331, %get3A_332] {strides = array<i32>} : memref<2x8x2x2048xf32, #tpu.memory_space<vmem>>, vector<1x1x1x16xf32>,
        %get3A_334 = vector.shape_cast %get3A_333 : vector<1x1x1x16xf32> to vector<16xf32>
        %mul3A_335 = arith.mulf %get3A_31, %get3A_334 : vector<16xf32>
        %add3A_336 = arith.addf %add3A_325, %mul3A_335 : vector<16xf32>
        %get3A_337 = arith.constant 1 : i32
        %get3A_338 = arith.constant 6 : i32
        %get3A_339 = arith.constant 0 : i32
        %get3A_340 = arith.index_cast %get3A_337 : i32 to index
        %get3A_341 = arith.index_cast %get3A_338 : i32 to index
        %get3A_342 = arith.index_cast %get3A_339 : i32 to index
        %get3A_343 = arith.index_cast %mul3A_271 : i32 to index
        %get3A_344 = tpu.vector_load %arg6[%get3A_340, %get3A_341, %get3A_342, %get3A_343] {strides = array<i32>} : memref<2x8x2x2048xf32, #tpu.memory_space<vmem>>, vector<1x1x1x16xf32>,
        %get3A_345 = vector.shape_cast %get3A_344 : vector<1x1x1x16xf32> to vector<16xf32>
        %mul3A_346 = arith.mulf %get3A_36, %get3A_345 : vector<16xf32>
        %add3A_347 = arith.addf %add3A_336, %mul3A_346 : vector<16xf32>
        %get3A_348 = arith.constant 1 : i32
        %get3A_349 = arith.constant 7 : i32
        %get3A_350 = arith.constant 0 : i32
        %get3A_351 = arith.index_cast %get3A_348 : i32 to index
        %get3A_352 = arith.index_cast %get3A_349 : i32 to index
        %get3A_353 = arith.index_cast %get3A_350 : i32 to index
        %get3A_354 = arith.index_cast %mul3A_271 : i32 to index
        %get3A_355 = tpu.vector_load %arg6[%get3A_351, %get3A_352, %get3A_353, %get3A_354] {strides = array<i32>} : memref<2x8x2x2048xf32, #tpu.memory_space<vmem>>, vector<1x1x1x16xf32>,
        %get3A_356 = vector.shape_cast %get3A_355 : vector<1x1x1x16xf32> to vector<16xf32>
        %mul3A_357 = arith.mulf %get3A_41, %get3A_356 : vector<16xf32>
        %add3A_358 = arith.addf %add3A_347, %mul3A_357 : vector<16xf32>
        %swap3A = arith.constant 0 : i32
        %swap3A_359 = arith.index_cast %swap3A : i32 to index
        %swap3A_360 = arith.index_cast %mul3A_271 : i32 to index
        %swap3A_361 = tpu.vector_load %arg7[%swap3A_359, %swap3A_360] {strides = array<i32>} : memref<2x2048xf32, #tpu.memory_space<vmem>>, vector<1x16xf32>,
        %swap3A_362 = vector.shape_cast %swap3A_361 : vector<1x16xf32> to vector<16xf32>
        %swap3A_363 = vector.shape_cast %add3A_358 : vector<16xf32> to vector<1x16xf32>
        tpu.vector_store %arg7[%swap3A_359, %swap3A_360], %swap3A_363 {strides = array<i32>} : memref<2x2048xf32, #tpu.memory_space<vmem>>, vector<1x16xf32>,
      }
      %scan3A_262 = arith.constant 128 : i32
      %scan3A_263 = arith.constant 0 : i32
      %scan3A_264 = arith.constant 0 : i32
      %scan3A_265 = arith.constant 128 : i32
      %scan3A_266 = arith.addi %scan3A_264, %scan3A_265 : i32
      %scan3A_267 = arith.constant 1 : i32
      scf.for %scan3A_269 = %scan3A_264 to %scan3A_266 step %scan3A_267  : i32 {
        %mul3A_270 = arith.constant 16 : i32
        %mul3A_271 = arith.muli %scan3A_269, %mul3A_270 : i32
        %get3A_272 = arith.constant 1 : i32
        %get3A_273 = arith.constant 0 : i32
        %get3A_274 = arith.constant 1 : i32
        %get3A_275 = arith.index_cast %get3A_272 : i32 to index
        %get3A_276 = arith.index_cast %get3A_273 : i32 to index
        %get3A_277 = arith.index_cast %get3A_274 : i32 to index
        %get3A_278 = arith.index_cast %mul3A_271 : i32 to index
        %get3A_279 = tpu.vector_load %arg6[%get3A_275, %get3A_276, %get3A_277, %get3A_278] {strides = array<i32>} : memref<2x8x2x2048xf32, #tpu.memory_space<vmem>>, vector<1x1x1x16xf32>,
        %get3A_280 = vector.shape_cast %get3A_279 : vector<1x1x1x16xf32> to vector<16xf32>
        %mul3A_281 = arith.mulf %get3A_6, %get3A_280 : vector<16xf32>
        %get3A_282 = arith.constant 1 : i32
        %get3A_283 = arith.constant 1 : i32
        %get3A_284 = arith.constant 1 : i32
        %get3A_285 = arith.index_cast %get3A_282 : i32 to index
        %get3A_286 = arith.index_cast %get3A_283 : i32 to index
        %get3A_287 = arith.index_cast %get3A_284 : i32 to index
        %get3A_288 = arith.index_cast %mul3A_271 : i32 to index
        %get3A_289 = tpu.vector_load %arg6[%get3A_285, %get3A_286, %get3A_287, %get3A_288] {strides = array<i32>} : memref<2x8x2x2048xf32, #tpu.memory_space<vmem>>, vector<1x1x1x16xf32>,
        %get3A_290 = vector.shape_cast %get3A_289 : vector<1x1x1x16xf32> to vector<16xf32>
        %mul3A_291 = arith.mulf %get3A_11, %get3A_290 : vector<16xf32>
        %add3A_292 = arith.addf %mul3A_281, %mul3A_291 : vector<16xf32>
        %get3A_293 = arith.constant 1 : i32
        %get3A_294 = arith.constant 2 : i32
        %get3A_295 = arith.constant 1 : i32
        %get3A_296 = arith.index_cast %get3A_293 : i32 to index
        %get3A_297 = arith.index_cast %get3A_294 : i32 to index
        %get3A_298 = arith.index_cast %get3A_295 : i32 to index
        %get3A_299 = arith.index_cast %mul3A_271 : i32 to index
        %get3A_300 = tpu.vector_load %arg6[%get3A_296, %get3A_297, %get3A_298, %get3A_299] {strides = array<i32>} : memref<2x8x2x2048xf32, #tpu.memory_space<vmem>>, vector<1x1x1x16xf32>,
        %get3A_301 = vector.shape_cast %get3A_300 : vector<1x1x1x16xf32> to vector<16xf32>
        %mul3A_302 = arith.mulf %get3A_16, %get3A_301 : vector<16xf32>
        %add3A_303 = arith.addf %add3A_292, %mul3A_302 : vector<16xf32>
        %get3A_304 = arith.constant 1 : i32
        %get3A_305 = arith.constant 3 : i32
        %get3A_306 = arith.constant 1 : i32
        %get3A_307 = arith.index_cast %get3A_304 : i32 to index
        %get3A_308 = arith.index_cast %get3A_305 : i32 to index
        %get3A_309 = arith.index_cast %get3A_306 : i32 to index
        %get3A_310 = arith.index_cast %mul3A_271 : i32 to index
        %get3A_311 = tpu.vector_load %arg6[%get3A_307, %get3A_308, %get3A_309, %get3A_310] {strides = array<i32>} : memref<2x8x2x2048xf32, #tpu.memory_space<vmem>>, vector<1x1x1x16xf32>,
        %get3A_312 = vector.shape_cast %get3A_311 : vector<1x1x1x16xf32> to vector<16xf32>
        %mul3A_313 = arith.mulf %get3A_21, %get3A_312 : vector<16xf32>
        %add3A_314 = arith.addf %add3A_303, %mul3A_313 : vector<16xf32>
        %get3A_315 = arith.constant 1 : i32
        %get3A_316 = arith.constant 4 : i32
        %get3A_317 = arith.constant 1 : i32
        %get3A_318 = arith.index_cast %get3A_315 : i32 to index
        %get3A_319 = arith.index_cast %get3A_316 : i32 to index
        %get3A_320 = arith.index_cast %get3A_317 : i32 to index
        %get3A_321 = arith.index_cast %mul3A_271 : i32 to index
        %get3A_322 = tpu.vector_load %arg6[%get3A_318, %get3A_319, %get3A_320, %get3A_321] {strides = array<i32>} : memref<2x8x2x2048xf32, #tpu.memory_space<vmem>>, vector<1x1x1x16xf32>,
        %get3A_323 = vector.shape_cast %get3A_322 : vector<1x1x1x16xf32> to vector<16xf32>
        %mul3A_324 = arith.mulf %get3A_26, %get3A_323 : vector<16xf32>
        %add3A_325 = arith.addf %add3A_314, %mul3A_324 : vector<16xf32>
        %get3A_326 = arith.constant 1 : i32
        %get3A_327 = arith.constant 5 : i32
        %get3A_328 = arith.constant 1 : i32
        %get3A_329 = arith.index_cast %get3A_326 : i32 to index
        %get3A_330 = arith.index_cast %get3A_327 : i32 to index
        %get3A_331 = arith.index_cast %get3A_328 : i32 to index
        %get3A_332 = arith.index_cast %mul3A_271 : i32 to index
        %get3A_333 = tpu.vector_load %arg6[%get3A_329, %get3A_330, %get3A_331, %get3A_332] {strides = array<i32>} : memref<2x8x2x2048xf32, #tpu.memory_space<vmem>>, vector<1x1x1x16xf32>,
        %get3A_334 = vector.shape_cast %get3A_333 : vector<1x1x1x16xf32> to vector<16xf32>
        %mul3A_335 = arith.mulf %get3A_31, %get3A_334 : vector<16xf32>
        %add3A_336 = arith.addf %add3A_325, %mul3A_335 : vector<16xf32>
        %get3A_337 = arith.constant 1 : i32
        %get3A_338 = arith.constant 6 : i32
        %get3A_339 = arith.constant 1 : i32
        %get3A_340 = arith.index_cast %get3A_337 : i32 to index
        %get3A_341 = arith.index_cast %get3A_338 : i32 to index
        %get3A_342 = arith.index_cast %get3A_339 : i32 to index
        %get3A_343 = arith.index_cast %mul3A_271 : i32 to index
        %get3A_344 = tpu.vector_load %arg6[%get3A_340, %get3A_341, %get3A_342, %get3A_343] {strides = array<i32>} : memref<2x8x2x2048xf32, #tpu.memory_space<vmem>>, vector<1x1x1x16xf32>,
        %get3A_345 = vector.shape_cast %get3A_344 : vector<1x1x1x16xf32> to vector<16xf32>
        %mul3A_346 = arith.mulf %get3A_36, %get3A_345 : vector<16xf32>
        %add3A_347 = arith.addf %add3A_336, %mul3A_346 : vector<16xf32>
        %get3A_348 = arith.constant 1 : i32
        %get3A_349 = arith.constant 7 : i32
        %get3A_350 = arith.constant 1 : i32
        %get3A_351 = arith.index_cast %get3A_348 : i32 to index
        %get3A_352 = arith.index_cast %get3A_349 : i32 to index
        %get3A_353 = arith.index_cast %get3A_350 : i32 to index
        %get3A_354 = arith.index_cast %mul3A_271 : i32 to index
        %get3A_355 = tpu.vector_load %arg6[%get3A_351, %get3A_352, %get3A_353, %get3A_354] {strides = array<i32>} : memref<2x8x2x2048xf32, #tpu.memory_space<vmem>>, vector<1x1x1x16xf32>,
        %get3A_356 = vector.shape_cast %get3A_355 : vector<1x1x1x16xf32> to vector<16xf32>
        %mul3A_357 = arith.mulf %get3A_41, %get3A_356 : vector<16xf32>
        %add3A_358 = arith.addf %add3A_347, %mul3A_357 : vector<16xf32>
        %swap3A = arith.constant 1 : i32
        %swap3A_359 = arith.index_cast %swap3A : i32 to index
        %swap3A_360 = arith.index_cast %mul3A_271 : i32 to index
        %swap3A_361 = tpu.vector_load %arg7[%swap3A_359, %swap3A_360] {strides = array<i32>} : memref<2x2048xf32, #tpu.memory_space<vmem>>, vector<1x16xf32>,
        %swap3A_362 = vector.shape_cast %swap3A_361 : vector<1x16xf32> to vector<16xf32>
        %swap3A_363 = vector.shape_cast %add3A_358 : vector<16xf32> to vector<1x16xf32>
        tpu.vector_store %arg7[%swap3A_359, %swap3A_360], %swap3A_363 {strides = array<i32>} : memref<2x2048xf32, #tpu.memory_space<vmem>>, vector<1x16xf32>,
      }
      %scan3A_268 = arith.constant 128 : i32
      "tpu.region"() ({
        %run_scoped3A = tpu.sem_alloc : memref<!tpu.dma_semaphore, #tpu.memory_space<semaphore_mem>>
        %dma_start3A_269 = arith.constant 0 : i32
        %dma_start3A_270 = tpu.memref_slice %arg4[%add3A_256, %dma_start3A_269] : memref<2048x2048xf32, #tpu.memory_space<hbm>> -> memref<2x2048xf32, #tpu.memory_space<hbm>>
        %dma_start3A_271 = arith.constant 0 : i32
        %dma_start3A_272 = tpu.memref_slice %arg4[%add3A_256, %dma_start3A_271] : memref<2048x2048xf32, #tpu.memory_space<hbm>> -> memref<2x2048xf32, #tpu.memory_space<hbm>>
        tpu.enqueue_dma source(%arg7 : memref<2x2048xf32, #tpu.memory_space<vmem>>) target(%dma_start3A_272 : memref<2x2048xf32, #tpu.memory_space<hbm>>) target_semaphore(%run_scoped3A : memref<!tpu.dma_semaphore, #tpu.memory_space<semaphore_mem>>)
        %dma_wait3A_273 = arith.constant 0 : i32
        %dma_wait3A_274 = tpu.memref_slice %arg4[%add3A_256, %dma_wait3A_273] : memref<2048x2048xf32, #tpu.memory_space<hbm>> -> memref<2x2048xf32, #tpu.memory_space<hbm>>
        %dma_wait3A_275 = arith.constant 0 : i32
        %dma_wait3A_276 = tpu.memref_slice %arg4[%add3A_256, %dma_wait3A_275] : memref<2048x2048xf32, #tpu.memory_space<hbm>> -> memref<2x2048xf32, #tpu.memory_space<hbm>>
        tpu.wait_dma2 semaphore(%run_scoped3A : memref<!tpu.dma_semaphore, #tpu.memory_space<semaphore_mem>>) src(%arg7 : memref<2x2048xf32, #tpu.memory_space<vmem>>) dst(%dma_wait3A_276 : memref<2x2048xf32, #tpu.memory_space<hbm>>)
        tpu.yield
      }) : () -> ()
    }
    %scan3A_183 = arith.constant 16 : i32
    return
  }
}

module attributes {stable_mosaic.version = 14 : i64} {
  func.func @_merge_down_body(%arg0: i32, %arg1: memref<4x8xf32, #tpu.memory_space<vmem>>, %arg2: memref<8x128x2048xf32, #tpu.memory_space<vmem>>, %arg3: memref<8x2048xf32, #tpu.memory_space<vmem>>, %arg4: memref<128x2048xbf16, #tpu.memory_space<vmem>>, %arg5: memref<1x2048xf32, #tpu.memory_space<vmem>>) attributes {dimension_semantics = [#tpu.dimension_semantics<arbitrary>], iteration_bounds = array<i64: 16>, scalar_prefetch = 0 : i64, scratch_operands = 0 : i64, tpu.core_type = #tpu.core_type<tc>, window_params = [{pipeline_mode = #tpu.pipeline_mode<synchronous>, transform_indices = @transform_0, window_bounds = array<i64: 4, 8>}, {transform_indices = @transform_1, window_bounds = array<i64: 8, 128, 2048>}, {pipeline_mode = #tpu.pipeline_mode<synchronous>, transform_indices = @transform_2, window_bounds = array<i64: 8, 2048>}, {transform_indices = @transform_3, window_bounds = array<i64: 128, 2048>}, {pipeline_mode = #tpu.pipeline_mode<synchronous>, transform_indices = @transform_4, window_bounds = array<i64: 1, 2048>}]} {
    %get3A = arith.constant 0 : index
    %get3A_0 = arith.constant 0 : index
    %get3A_1 = vector.load %arg1[%get3A, %get3A_0] : memref<4x8xf32, #tpu.memory_space<vmem>>, vector<4x8xf32>
    %slice3A = vector.extract_strided_slice %get3A_1 {offsets = [0, 0], sizes = [4, 1], strides = [1, 1]} : vector<4x8xf32> to vector<4x1xf32>
    %squeeze3A = vector.shape_cast %slice3A : vector<4x1xf32> to vector<4xf32>
    %reduce_sum3A = vector.shape_cast %squeeze3A : vector<4xf32> to vector<1x4xf32>
    %reduce_sum3A_2 = arith.constant dense<0.000000e+00> : vector<1xf32>
    %reduce_sum3A_3 = vector.multi_reduction <add>, %reduce_sum3A, %reduce_sum3A_2 [1] : vector<1x4xf32> to vector<1xf32>
    %reduce_sum3A_4 = vector.shape_cast %reduce_sum3A_3 : vector<1xf32> to vector<1x1xf32>
    %reduce_sum3A_5 = vector.extract %reduce_sum3A_4[0, 0] : f32 from vector<1x1xf32>
    %get3A_6 = arith.constant 0 : index
    %get3A_7 = arith.constant 0 : index
    %get3A_8 = arith.constant 0 : index
    %get3A_9 = vector.load %arg2[%get3A_6, %get3A_7, %get3A_8] : memref<8x128x2048xf32, #tpu.memory_space<vmem>>, vector<1x128x2048xf32>
    %get3A_10 = vector.shape_cast %get3A_9 : vector<1x128x2048xf32> to vector<128x2048xf32>
    %mul3A = vector.broadcast %reduce_sum3A_5 : f32 to vector<128x2048xf32>
    %mul3A_11 = arith.mulf %mul3A, %get3A_10 : vector<128x2048xf32>
    %slice3A_12 = vector.extract_strided_slice %get3A_1 {offsets = [0, 1], sizes = [4, 1], strides = [1, 1]} : vector<4x8xf32> to vector<4x1xf32>
    %squeeze3A_13 = vector.shape_cast %slice3A_12 : vector<4x1xf32> to vector<4xf32>
    %reduce_sum3A_14 = vector.shape_cast %squeeze3A_13 : vector<4xf32> to vector<1x4xf32>
    %reduce_sum3A_15 = arith.constant dense<0.000000e+00> : vector<1xf32>
    %reduce_sum3A_16 = vector.multi_reduction <add>, %reduce_sum3A_14, %reduce_sum3A_15 [1] : vector<1x4xf32> to vector<1xf32>
    %reduce_sum3A_17 = vector.shape_cast %reduce_sum3A_16 : vector<1xf32> to vector<1x1xf32>
    %reduce_sum3A_18 = vector.extract %reduce_sum3A_17[0, 0] : f32 from vector<1x1xf32>
    %get3A_19 = arith.constant 1 : index
    %get3A_20 = arith.constant 0 : index
    %get3A_21 = arith.constant 0 : index
    %get3A_22 = vector.load %arg2[%get3A_19, %get3A_20, %get3A_21] : memref<8x128x2048xf32, #tpu.memory_space<vmem>>, vector<1x128x2048xf32>
    %get3A_23 = vector.shape_cast %get3A_22 : vector<1x128x2048xf32> to vector<128x2048xf32>
    %mul3A_24 = vector.broadcast %reduce_sum3A_18 : f32 to vector<128x2048xf32>
    %mul3A_25 = arith.mulf %mul3A_24, %get3A_23 : vector<128x2048xf32>
    %add3A = arith.addf %mul3A_11, %mul3A_25 : vector<128x2048xf32>
    %slice3A_26 = vector.extract_strided_slice %get3A_1 {offsets = [0, 2], sizes = [4, 1], strides = [1, 1]} : vector<4x8xf32> to vector<4x1xf32>
    %squeeze3A_27 = vector.shape_cast %slice3A_26 : vector<4x1xf32> to vector<4xf32>
    %reduce_sum3A_28 = vector.shape_cast %squeeze3A_27 : vector<4xf32> to vector<1x4xf32>
    %reduce_sum3A_29 = arith.constant dense<0.000000e+00> : vector<1xf32>
    %reduce_sum3A_30 = vector.multi_reduction <add>, %reduce_sum3A_28, %reduce_sum3A_29 [1] : vector<1x4xf32> to vector<1xf32>
    %reduce_sum3A_31 = vector.shape_cast %reduce_sum3A_30 : vector<1xf32> to vector<1x1xf32>
    %reduce_sum3A_32 = vector.extract %reduce_sum3A_31[0, 0] : f32 from vector<1x1xf32>
    %get3A_33 = arith.constant 2 : index
    %get3A_34 = arith.constant 0 : index
    %get3A_35 = arith.constant 0 : index
    %get3A_36 = vector.load %arg2[%get3A_33, %get3A_34, %get3A_35] : memref<8x128x2048xf32, #tpu.memory_space<vmem>>, vector<1x128x2048xf32>
    %get3A_37 = vector.shape_cast %get3A_36 : vector<1x128x2048xf32> to vector<128x2048xf32>
    %mul3A_38 = vector.broadcast %reduce_sum3A_32 : f32 to vector<128x2048xf32>
    %mul3A_39 = arith.mulf %mul3A_38, %get3A_37 : vector<128x2048xf32>
    %add3A_40 = arith.addf %add3A, %mul3A_39 : vector<128x2048xf32>
    %slice3A_41 = vector.extract_strided_slice %get3A_1 {offsets = [0, 3], sizes = [4, 1], strides = [1, 1]} : vector<4x8xf32> to vector<4x1xf32>
    %squeeze3A_42 = vector.shape_cast %slice3A_41 : vector<4x1xf32> to vector<4xf32>
    %reduce_sum3A_43 = vector.shape_cast %squeeze3A_42 : vector<4xf32> to vector<1x4xf32>
    %reduce_sum3A_44 = arith.constant dense<0.000000e+00> : vector<1xf32>
    %reduce_sum3A_45 = vector.multi_reduction <add>, %reduce_sum3A_43, %reduce_sum3A_44 [1] : vector<1x4xf32> to vector<1xf32>
    %reduce_sum3A_46 = vector.shape_cast %reduce_sum3A_45 : vector<1xf32> to vector<1x1xf32>
    %reduce_sum3A_47 = vector.extract %reduce_sum3A_46[0, 0] : f32 from vector<1x1xf32>
    %get3A_48 = arith.constant 3 : index
    %get3A_49 = arith.constant 0 : index
    %get3A_50 = arith.constant 0 : index
    %get3A_51 = vector.load %arg2[%get3A_48, %get3A_49, %get3A_50] : memref<8x128x2048xf32, #tpu.memory_space<vmem>>, vector<1x128x2048xf32>
    %get3A_52 = vector.shape_cast %get3A_51 : vector<1x128x2048xf32> to vector<128x2048xf32>
    %mul3A_53 = vector.broadcast %reduce_sum3A_47 : f32 to vector<128x2048xf32>
    %mul3A_54 = arith.mulf %mul3A_53, %get3A_52 : vector<128x2048xf32>
    %add3A_55 = arith.addf %add3A_40, %mul3A_54 : vector<128x2048xf32>
    %slice3A_56 = vector.extract_strided_slice %get3A_1 {offsets = [0, 4], sizes = [4, 1], strides = [1, 1]} : vector<4x8xf32> to vector<4x1xf32>
    %squeeze3A_57 = vector.shape_cast %slice3A_56 : vector<4x1xf32> to vector<4xf32>
    %reduce_sum3A_58 = vector.shape_cast %squeeze3A_57 : vector<4xf32> to vector<1x4xf32>
    %reduce_sum3A_59 = arith.constant dense<0.000000e+00> : vector<1xf32>
    %reduce_sum3A_60 = vector.multi_reduction <add>, %reduce_sum3A_58, %reduce_sum3A_59 [1] : vector<1x4xf32> to vector<1xf32>
    %reduce_sum3A_61 = vector.shape_cast %reduce_sum3A_60 : vector<1xf32> to vector<1x1xf32>
    %reduce_sum3A_62 = vector.extract %reduce_sum3A_61[0, 0] : f32 from vector<1x1xf32>
    %get3A_63 = arith.constant 4 : index
    %get3A_64 = arith.constant 0 : index
    %get3A_65 = arith.constant 0 : index
    %get3A_66 = vector.load %arg2[%get3A_63, %get3A_64, %get3A_65] : memref<8x128x2048xf32, #tpu.memory_space<vmem>>, vector<1x128x2048xf32>
    %get3A_67 = vector.shape_cast %get3A_66 : vector<1x128x2048xf32> to vector<128x2048xf32>
    %mul3A_68 = vector.broadcast %reduce_sum3A_62 : f32 to vector<128x2048xf32>
    %mul3A_69 = arith.mulf %mul3A_68, %get3A_67 : vector<128x2048xf32>
    %add3A_70 = arith.addf %add3A_55, %mul3A_69 : vector<128x2048xf32>
    %slice3A_71 = vector.extract_strided_slice %get3A_1 {offsets = [0, 5], sizes = [4, 1], strides = [1, 1]} : vector<4x8xf32> to vector<4x1xf32>
    %squeeze3A_72 = vector.shape_cast %slice3A_71 : vector<4x1xf32> to vector<4xf32>
    %reduce_sum3A_73 = vector.shape_cast %squeeze3A_72 : vector<4xf32> to vector<1x4xf32>
    %reduce_sum3A_74 = arith.constant dense<0.000000e+00> : vector<1xf32>
    %reduce_sum3A_75 = vector.multi_reduction <add>, %reduce_sum3A_73, %reduce_sum3A_74 [1] : vector<1x4xf32> to vector<1xf32>
    %reduce_sum3A_76 = vector.shape_cast %reduce_sum3A_75 : vector<1xf32> to vector<1x1xf32>
    %reduce_sum3A_77 = vector.extract %reduce_sum3A_76[0, 0] : f32 from vector<1x1xf32>
    %get3A_78 = arith.constant 5 : index
    %get3A_79 = arith.constant 0 : index
    %get3A_80 = arith.constant 0 : index
    %get3A_81 = vector.load %arg2[%get3A_78, %get3A_79, %get3A_80] : memref<8x128x2048xf32, #tpu.memory_space<vmem>>, vector<1x128x2048xf32>
    %get3A_82 = vector.shape_cast %get3A_81 : vector<1x128x2048xf32> to vector<128x2048xf32>
    %mul3A_83 = vector.broadcast %reduce_sum3A_77 : f32 to vector<128x2048xf32>
    %mul3A_84 = arith.mulf %mul3A_83, %get3A_82 : vector<128x2048xf32>
    %add3A_85 = arith.addf %add3A_70, %mul3A_84 : vector<128x2048xf32>
    %slice3A_86 = vector.extract_strided_slice %get3A_1 {offsets = [0, 6], sizes = [4, 1], strides = [1, 1]} : vector<4x8xf32> to vector<4x1xf32>
    %squeeze3A_87 = vector.shape_cast %slice3A_86 : vector<4x1xf32> to vector<4xf32>
    %reduce_sum3A_88 = vector.shape_cast %squeeze3A_87 : vector<4xf32> to vector<1x4xf32>
    %reduce_sum3A_89 = arith.constant dense<0.000000e+00> : vector<1xf32>
    %reduce_sum3A_90 = vector.multi_reduction <add>, %reduce_sum3A_88, %reduce_sum3A_89 [1] : vector<1x4xf32> to vector<1xf32>
    %reduce_sum3A_91 = vector.shape_cast %reduce_sum3A_90 : vector<1xf32> to vector<1x1xf32>
    %reduce_sum3A_92 = vector.extract %reduce_sum3A_91[0, 0] : f32 from vector<1x1xf32>
    %get3A_93 = arith.constant 6 : index
    %get3A_94 = arith.constant 0 : index
    %get3A_95 = arith.constant 0 : index
    %get3A_96 = vector.load %arg2[%get3A_93, %get3A_94, %get3A_95] : memref<8x128x2048xf32, #tpu.memory_space<vmem>>, vector<1x128x2048xf32>
    %get3A_97 = vector.shape_cast %get3A_96 : vector<1x128x2048xf32> to vector<128x2048xf32>
    %mul3A_98 = vector.broadcast %reduce_sum3A_92 : f32 to vector<128x2048xf32>
    %mul3A_99 = arith.mulf %mul3A_98, %get3A_97 : vector<128x2048xf32>
    %add3A_100 = arith.addf %add3A_85, %mul3A_99 : vector<128x2048xf32>
    %slice3A_101 = vector.extract_strided_slice %get3A_1 {offsets = [0, 7], sizes = [4, 1], strides = [1, 1]} : vector<4x8xf32> to vector<4x1xf32>
    %squeeze3A_102 = vector.shape_cast %slice3A_101 : vector<4x1xf32> to vector<4xf32>
    %reduce_sum3A_103 = vector.shape_cast %squeeze3A_102 : vector<4xf32> to vector<1x4xf32>
    %reduce_sum3A_104 = arith.constant dense<0.000000e+00> : vector<1xf32>
    %reduce_sum3A_105 = vector.multi_reduction <add>, %reduce_sum3A_103, %reduce_sum3A_104 [1] : vector<1x4xf32> to vector<1xf32>
    %reduce_sum3A_106 = vector.shape_cast %reduce_sum3A_105 : vector<1xf32> to vector<1x1xf32>
    %reduce_sum3A_107 = vector.extract %reduce_sum3A_106[0, 0] : f32 from vector<1x1xf32>
    %get3A_108 = arith.constant 7 : index
    %get3A_109 = arith.constant 0 : index
    %get3A_110 = arith.constant 0 : index
    %get3A_111 = vector.load %arg2[%get3A_108, %get3A_109, %get3A_110] : memref<8x128x2048xf32, #tpu.memory_space<vmem>>, vector<1x128x2048xf32>
    %get3A_112 = vector.shape_cast %get3A_111 : vector<1x128x2048xf32> to vector<128x2048xf32>
    %mul3A_113 = vector.broadcast %reduce_sum3A_107 : f32 to vector<128x2048xf32>
    %mul3A_114 = arith.mulf %mul3A_113, %get3A_112 : vector<128x2048xf32>
    %add3A_115 = arith.addf %add3A_100, %mul3A_114 : vector<128x2048xf32>
    %convert_element_type3A = arith.truncf %add3A_115 : vector<128x2048xf32> to vector<128x2048xbf16>
    %swap3A = arith.constant 0 : index
    %swap3A_116 = arith.constant 0 : index
    %swap3A_117 = vector.load %arg4[%swap3A, %swap3A_116] : memref<128x2048xbf16, #tpu.memory_space<vmem>>, vector<128x2048xbf16>
    tpu.vector_store %arg4[%swap3A, %swap3A_116], %convert_element_type3A {strides = array<i32>} : memref<128x2048xbf16, #tpu.memory_space<vmem>>, vector<128x2048xbf16>,
    %eq3A = arith.constant 0 : i32
    %eq3A_118 = arith.cmpi eq, %arg0, %eq3A : i32
    %convert_element_type3A_119 = arith.extui %eq3A_118 : i1 to i32
    %cond3A = arith.constant 0 : i32
    %cond3A_120 = arith.cmpi ne, %convert_element_type3A_119, %cond3A : i32
    scf.if %cond3A_120 {
      %slice3A_121 = vector.extract_strided_slice %get3A_1 {offsets = [0, 0], sizes = [4, 1], strides = [1, 1]} : vector<4x8xf32> to vector<4x1xf32>
      %squeeze3A_122 = vector.shape_cast %slice3A_121 : vector<4x1xf32> to vector<4xf32>
      %reduce_sum3A_123 = vector.shape_cast %squeeze3A_122 : vector<4xf32> to vector<1x4xf32>
      %reduce_sum3A_124 = arith.constant dense<0.000000e+00> : vector<1xf32>
      %reduce_sum3A_125 = vector.multi_reduction <add>, %reduce_sum3A_123, %reduce_sum3A_124 [1] : vector<1x4xf32> to vector<1xf32>
      %reduce_sum3A_126 = vector.shape_cast %reduce_sum3A_125 : vector<1xf32> to vector<1x1xf32>
      %reduce_sum3A_127 = vector.extract %reduce_sum3A_126[0, 0] : f32 from vector<1x1xf32>
      %get3A_128 = arith.constant 0 : index
      %get3A_129 = arith.constant 0 : index
      %get3A_130 = vector.load %arg3[%get3A_128, %get3A_129] : memref<8x2048xf32, #tpu.memory_space<vmem>>, vector<1x2048xf32>
      %mul3A_131 = vector.broadcast %reduce_sum3A_127 : f32 to vector<1x2048xf32>
      %mul3A_132 = arith.mulf %mul3A_131, %get3A_130 : vector<1x2048xf32>
      %slice3A_133 = vector.extract_strided_slice %get3A_1 {offsets = [0, 1], sizes = [4, 1], strides = [1, 1]} : vector<4x8xf32> to vector<4x1xf32>
      %squeeze3A_134 = vector.shape_cast %slice3A_133 : vector<4x1xf32> to vector<4xf32>
      %reduce_sum3A_135 = vector.shape_cast %squeeze3A_134 : vector<4xf32> to vector<1x4xf32>
      %reduce_sum3A_136 = arith.constant dense<0.000000e+00> : vector<1xf32>
      %reduce_sum3A_137 = vector.multi_reduction <add>, %reduce_sum3A_135, %reduce_sum3A_136 [1] : vector<1x4xf32> to vector<1xf32>
      %reduce_sum3A_138 = vector.shape_cast %reduce_sum3A_137 : vector<1xf32> to vector<1x1xf32>
      %reduce_sum3A_139 = vector.extract %reduce_sum3A_138[0, 0] : f32 from vector<1x1xf32>
      %get3A_140 = arith.constant 1 : index
      %get3A_141 = arith.constant 0 : index
      %get3A_142 = vector.load %arg3[%get3A_140, %get3A_141] : memref<8x2048xf32, #tpu.memory_space<vmem>>, vector<1x2048xf32>
      %mul3A_143 = vector.broadcast %reduce_sum3A_139 : f32 to vector<1x2048xf32>
      %mul3A_144 = arith.mulf %mul3A_143, %get3A_142 : vector<1x2048xf32>
      %add3A_145 = arith.addf %mul3A_132, %mul3A_144 : vector<1x2048xf32>
      %slice3A_146 = vector.extract_strided_slice %get3A_1 {offsets = [0, 2], sizes = [4, 1], strides = [1, 1]} : vector<4x8xf32> to vector<4x1xf32>
      %squeeze3A_147 = vector.shape_cast %slice3A_146 : vector<4x1xf32> to vector<4xf32>
      %reduce_sum3A_148 = vector.shape_cast %squeeze3A_147 : vector<4xf32> to vector<1x4xf32>
      %reduce_sum3A_149 = arith.constant dense<0.000000e+00> : vector<1xf32>
      %reduce_sum3A_150 = vector.multi_reduction <add>, %reduce_sum3A_148, %reduce_sum3A_149 [1] : vector<1x4xf32> to vector<1xf32>
      %reduce_sum3A_151 = vector.shape_cast %reduce_sum3A_150 : vector<1xf32> to vector<1x1xf32>
      %reduce_sum3A_152 = vector.extract %reduce_sum3A_151[0, 0] : f32 from vector<1x1xf32>
      %get3A_153 = arith.constant 2 : index
      %get3A_154 = arith.constant 0 : index
      %get3A_155 = vector.load %arg3[%get3A_153, %get3A_154] : memref<8x2048xf32, #tpu.memory_space<vmem>>, vector<1x2048xf32>
      %mul3A_156 = vector.broadcast %reduce_sum3A_152 : f32 to vector<1x2048xf32>
      %mul3A_157 = arith.mulf %mul3A_156, %get3A_155 : vector<1x2048xf32>
      %add3A_158 = arith.addf %add3A_145, %mul3A_157 : vector<1x2048xf32>
      %slice3A_159 = vector.extract_strided_slice %get3A_1 {offsets = [0, 3], sizes = [4, 1], strides = [1, 1]} : vector<4x8xf32> to vector<4x1xf32>
      %squeeze3A_160 = vector.shape_cast %slice3A_159 : vector<4x1xf32> to vector<4xf32>
      %reduce_sum3A_161 = vector.shape_cast %squeeze3A_160 : vector<4xf32> to vector<1x4xf32>
      %reduce_sum3A_162 = arith.constant dense<0.000000e+00> : vector<1xf32>
      %reduce_sum3A_163 = vector.multi_reduction <add>, %reduce_sum3A_161, %reduce_sum3A_162 [1] : vector<1x4xf32> to vector<1xf32>
      %reduce_sum3A_164 = vector.shape_cast %reduce_sum3A_163 : vector<1xf32> to vector<1x1xf32>
      %reduce_sum3A_165 = vector.extract %reduce_sum3A_164[0, 0] : f32 from vector<1x1xf32>
      %get3A_166 = arith.constant 3 : index
      %get3A_167 = arith.constant 0 : index
      %get3A_168 = vector.load %arg3[%get3A_166, %get3A_167] : memref<8x2048xf32, #tpu.memory_space<vmem>>, vector<1x2048xf32>
      %mul3A_169 = vector.broadcast %reduce_sum3A_165 : f32 to vector<1x2048xf32>
      %mul3A_170 = arith.mulf %mul3A_169, %get3A_168 : vector<1x2048xf32>
      %add3A_171 = arith.addf %add3A_158, %mul3A_170 : vector<1x2048xf32>
      %slice3A_172 = vector.extract_strided_slice %get3A_1 {offsets = [0, 4], sizes = [4, 1], strides = [1, 1]} : vector<4x8xf32> to vector<4x1xf32>
      %squeeze3A_173 = vector.shape_cast %slice3A_172 : vector<4x1xf32> to vector<4xf32>
      %reduce_sum3A_174 = vector.shape_cast %squeeze3A_173 : vector<4xf32> to vector<1x4xf32>
      %reduce_sum3A_175 = arith.constant dense<0.000000e+00> : vector<1xf32>
      %reduce_sum3A_176 = vector.multi_reduction <add>, %reduce_sum3A_174, %reduce_sum3A_175 [1] : vector<1x4xf32> to vector<1xf32>
      %reduce_sum3A_177 = vector.shape_cast %reduce_sum3A_176 : vector<1xf32> to vector<1x1xf32>
      %reduce_sum3A_178 = vector.extract %reduce_sum3A_177[0, 0] : f32 from vector<1x1xf32>
      %get3A_179 = arith.constant 4 : index
      %get3A_180 = arith.constant 0 : index
      %get3A_181 = vector.load %arg3[%get3A_179, %get3A_180] : memref<8x2048xf32, #tpu.memory_space<vmem>>, vector<1x2048xf32>
      %mul3A_182 = vector.broadcast %reduce_sum3A_178 : f32 to vector<1x2048xf32>
      %mul3A_183 = arith.mulf %mul3A_182, %get3A_181 : vector<1x2048xf32>
      %add3A_184 = arith.addf %add3A_171, %mul3A_183 : vector<1x2048xf32>
      %slice3A_185 = vector.extract_strided_slice %get3A_1 {offsets = [0, 5], sizes = [4, 1], strides = [1, 1]} : vector<4x8xf32> to vector<4x1xf32>
      %squeeze3A_186 = vector.shape_cast %slice3A_185 : vector<4x1xf32> to vector<4xf32>
      %reduce_sum3A_187 = vector.shape_cast %squeeze3A_186 : vector<4xf32> to vector<1x4xf32>
      %reduce_sum3A_188 = arith.constant dense<0.000000e+00> : vector<1xf32>
      %reduce_sum3A_189 = vector.multi_reduction <add>, %reduce_sum3A_187, %reduce_sum3A_188 [1] : vector<1x4xf32> to vector<1xf32>
      %reduce_sum3A_190 = vector.shape_cast %reduce_sum3A_189 : vector<1xf32> to vector<1x1xf32>
      %reduce_sum3A_191 = vector.extract %reduce_sum3A_190[0, 0] : f32 from vector<1x1xf32>
      %get3A_192 = arith.constant 5 : index
      %get3A_193 = arith.constant 0 : index
      %get3A_194 = vector.load %arg3[%get3A_192, %get3A_193] : memref<8x2048xf32, #tpu.memory_space<vmem>>, vector<1x2048xf32>
      %mul3A_195 = vector.broadcast %reduce_sum3A_191 : f32 to vector<1x2048xf32>
      %mul3A_196 = arith.mulf %mul3A_195, %get3A_194 : vector<1x2048xf32>
      %add3A_197 = arith.addf %add3A_184, %mul3A_196 : vector<1x2048xf32>
      %slice3A_198 = vector.extract_strided_slice %get3A_1 {offsets = [0, 6], sizes = [4, 1], strides = [1, 1]} : vector<4x8xf32> to vector<4x1xf32>
      %squeeze3A_199 = vector.shape_cast %slice3A_198 : vector<4x1xf32> to vector<4xf32>
      %reduce_sum3A_200 = vector.shape_cast %squeeze3A_199 : vector<4xf32> to vector<1x4xf32>
      %reduce_sum3A_201 = arith.constant dense<0.000000e+00> : vector<1xf32>
      %reduce_sum3A_202 = vector.multi_reduction <add>, %reduce_sum3A_200, %reduce_sum3A_201 [1] : vector<1x4xf32> to vector<1xf32>
      %reduce_sum3A_203 = vector.shape_cast %reduce_sum3A_202 : vector<1xf32> to vector<1x1xf32>
      %reduce_sum3A_204 = vector.extract %reduce_sum3A_203[0, 0] : f32 from vector<1x1xf32>
      %get3A_205 = arith.constant 6 : index
      %get3A_206 = arith.constant 0 : index
      %get3A_207 = vector.load %arg3[%get3A_205, %get3A_206] : memref<8x2048xf32, #tpu.memory_space<vmem>>, vector<1x2048xf32>
      %mul3A_208 = vector.broadcast %reduce_sum3A_204 : f32 to vector<1x2048xf32>
      %mul3A_209 = arith.mulf %mul3A_208, %get3A_207 : vector<1x2048xf32>
      %add3A_210 = arith.addf %add3A_197, %mul3A_209 : vector<1x2048xf32>
      %slice3A_211 = vector.extract_strided_slice %get3A_1 {offsets = [0, 7], sizes = [4, 1], strides = [1, 1]} : vector<4x8xf32> to vector<4x1xf32>
      %squeeze3A_212 = vector.shape_cast %slice3A_211 : vector<4x1xf32> to vector<4xf32>
      %reduce_sum3A_213 = vector.shape_cast %squeeze3A_212 : vector<4xf32> to vector<1x4xf32>
      %reduce_sum3A_214 = arith.constant dense<0.000000e+00> : vector<1xf32>
      %reduce_sum3A_215 = vector.multi_reduction <add>, %reduce_sum3A_213, %reduce_sum3A_214 [1] : vector<1x4xf32> to vector<1xf32>
      %reduce_sum3A_216 = vector.shape_cast %reduce_sum3A_215 : vector<1xf32> to vector<1x1xf32>
      %reduce_sum3A_217 = vector.extract %reduce_sum3A_216[0, 0] : f32 from vector<1x1xf32>
      %get3A_218 = arith.constant 7 : index
      %get3A_219 = arith.constant 0 : index
      %get3A_220 = vector.load %arg3[%get3A_218, %get3A_219] : memref<8x2048xf32, #tpu.memory_space<vmem>>, vector<1x2048xf32>
      %mul3A_221 = vector.broadcast %reduce_sum3A_217 : f32 to vector<1x2048xf32>
      %mul3A_222 = arith.mulf %mul3A_221, %get3A_220 : vector<1x2048xf32>
      %add3A_223 = arith.addf %add3A_210, %mul3A_222 : vector<1x2048xf32>
      %swap3A_224 = arith.constant 0 : index
      %swap3A_225 = arith.constant 0 : index
      %swap3A_226 = vector.load %arg5[%swap3A_224, %swap3A_225] : memref<1x2048xf32, #tpu.memory_space<vmem>>, vector<1x2048xf32>
      tpu.vector_store %arg5[%swap3A_224, %swap3A_225], %add3A_223 {strides = array<i32>} : memref<1x2048xf32, #tpu.memory_space<vmem>>, vector<1x2048xf32>,
    } else {
    }
    return
  }
  func.func @transform_0(%arg0: i32) -> (i32, i32) {
    %c0_i32 = arith.constant 0 : i32
    %c0_i32_0 = arith.constant 0 : i32
    %c0_i32_1 = arith.constant 0 : i32
    return %c0_i32, %c0_i32_0 : i32, i32
  }
  func.func @transform_1(%arg0: i32) -> (i32, i32, i32) {
    %c0_i32 = arith.constant 0 : i32
    %c0_i32_0 = arith.constant 0 : i32
    %c0_i32_1 = arith.constant 0 : i32
    return %c0_i32, %arg0, %c0_i32_0 : i32, i32, i32
  }
  func.func @transform_2(%arg0: i32) -> (i32, i32) {
    %c0_i32 = arith.constant 0 : i32
    %c0_i32_0 = arith.constant 0 : i32
    %c0_i32_1 = arith.constant 0 : i32
    return %c0_i32, %c0_i32_0 : i32, i32
  }
  func.func @transform_3(%arg0: i32) -> (i32, i32) {
    %c0_i32 = arith.constant 0 : i32
    %c0_i32_0 = arith.constant 0 : i32
    return %arg0, %c0_i32 : i32, i32
  }
  func.func @transform_4(%arg0: i32) -> (i32, i32) {
    %c0_i32 = arith.constant 0 : i32
    %c0_i32_0 = arith.constant 0 : i32
    %c0_i32_1 = arith.constant 0 : i32
    return %c0_i32, %c0_i32_0 : i32, i32
  }
}

module attributes {stable_mosaic.version = 14 : i64} {
  func.func @_router_body(%arg0: i32, %arg1: memref<4x256x2048xf32, #tpu.memory_space<vmem>>, %arg2: memref<2048x8xf32, #tpu.memory_space<vmem>>, %arg3: memref<1x8xf32, #tpu.memory_space<vmem>>, %arg4: memref<4x8xf32, #tpu.memory_space<vmem>>, %arg5: memref<8x128xf32, #tpu.memory_space<vmem>>, %arg6: memref<4x2048xf32, #tpu.memory_space<vmem>>) attributes {dimension_semantics = [#tpu.dimension_semantics<arbitrary>], iteration_bounds = array<i64: 8>, scalar_prefetch = 0 : i64, scratch_operands = 1 : i64, tpu.core_type = #tpu.core_type<tc>, window_params = [{transform_indices = @transform_0, window_bounds = array<i64: 4, 256, 2048>}, {pipeline_mode = #tpu.pipeline_mode<synchronous>, transform_indices = @transform_1, window_bounds = array<i64: 2048, 8>}, {pipeline_mode = #tpu.pipeline_mode<synchronous>, transform_indices = @transform_2, window_bounds = array<i64: 1, 8>}, {pipeline_mode = #tpu.pipeline_mode<synchronous>, transform_indices = @transform_3, window_bounds = array<i64: 4, 8>}, {pipeline_mode = #tpu.pipeline_mode<synchronous>, transform_indices = @transform_4, window_bounds = array<i64: 8, 128>}]} {
    %eq3A = arith.constant 0 : i32
    %eq3A_0 = arith.cmpi eq, %arg0, %eq3A : i32
    %convert_element_type3A = arith.extui %eq3A_0 : i1 to i32
    %cond3A = arith.constant 0 : i32
    %cond3A_1 = arith.cmpi ne, %convert_element_type3A, %cond3A : i32
    scf.if %cond3A_1 {
      %broadcast_in_dim3A = arith.constant 0.000000e+00 : f32
      %broadcast_in_dim3A_16 = vector.broadcast %broadcast_in_dim3A : f32 to vector<4x2048xf32>
      %swap3A_17 = arith.constant 0 : index
      %swap3A_18 = arith.constant 0 : index
      %swap3A_19 = vector.load %arg6[%swap3A_17, %swap3A_18] : memref<4x2048xf32, #tpu.memory_space<vmem>>, vector<4x2048xf32>
      tpu.vector_store %arg6[%swap3A_17, %swap3A_18], %broadcast_in_dim3A_16 {strides = array<i32>} : memref<4x2048xf32, #tpu.memory_space<vmem>>, vector<4x2048xf32>,
    } else {
    }
    %get3A = arith.constant 0 : index
    %get3A_2 = arith.constant 0 : index
    %get3A_3 = vector.load %arg6[%get3A, %get3A_2] : memref<4x2048xf32, #tpu.memory_space<vmem>>, vector<4x2048xf32>
    %get3A_4 = arith.constant 0 : index
    %get3A_5 = arith.constant 0 : index
    %get3A_6 = arith.constant 0 : index
    %get3A_7 = vector.load %arg1[%get3A_4, %get3A_5, %get3A_6] : memref<4x256x2048xf32, #tpu.memory_space<vmem>>, vector<4x256x2048xf32>
    %reduce_sum3A = arith.constant dense<0.000000e+00> : vector<4x2048xf32>
    %reduce_sum3A_8 = vector.multi_reduction <add>, %get3A_7, %reduce_sum3A [1] : vector<4x256x2048xf32> to vector<4x2048xf32>
    %add3A = arith.addf %get3A_3, %reduce_sum3A_8 : vector<4x2048xf32>
    %swap3A = arith.constant 0 : index
    %swap3A_9 = arith.constant 0 : index
    %swap3A_10 = vector.load %arg6[%swap3A, %swap3A_9] : memref<4x2048xf32, #tpu.memory_space<vmem>>, vector<4x2048xf32>
    tpu.vector_store %arg6[%swap3A, %swap3A_9], %add3A {strides = array<i32>} : memref<4x2048xf32, #tpu.memory_space<vmem>>, vector<4x2048xf32>,
    %eq3A_11 = arith.constant 7 : i32
    %eq3A_12 = arith.cmpi eq, %arg0, %eq3A_11 : i32
    %convert_element_type3A_13 = arith.extui %eq3A_12 : i1 to i32
    %cond3A_14 = arith.constant 0 : i32
    %cond3A_15 = arith.cmpi ne, %convert_element_type3A_13, %cond3A_14 : i32
    scf.if %cond3A_15 {
      %get3A_16 = arith.constant 0 : index
      %get3A_17 = arith.constant 0 : index
      %get3A_18 = vector.load %arg6[%get3A_16, %get3A_17] : memref<4x2048xf32, #tpu.memory_space<vmem>>, vector<4x2048xf32>
      %mul3A = arith.constant 4.8828125E-4 : f32
      %mul3A_19 = vector.broadcast %mul3A : f32 to vector<4x2048xf32>
      %mul3A_20 = arith.mulf %get3A_18, %mul3A_19 : vector<4x2048xf32>
      %get3A_21 = arith.constant 0 : index
      %get3A_22 = arith.constant 0 : index
      %get3A_23 = vector.load %arg2[%get3A_21, %get3A_22] : memref<2048x8xf32, #tpu.memory_space<vmem>>, vector<2048x8xf32>
      %dot_general3A = arith.constant dense<0.000000e+00> : vector<4x8xf32>
      %dot_general3A_24 = tpu.matmul %mul3A_20, %get3A_23, %dot_general3A {dimension_numbers = #tpu.dot_dimension_numbers<[1], [0], [0], [1], [0, 0, 1, 1], [], []>, transpose_lhs_hint = false} : vector<4x2048xf32>, vector<2048x8xf32>, vector<4x8xf32> -> vector<4x8xf32>
      %get3A_25 = arith.constant 0 : index
      %get3A_26 = arith.constant 0 : index
      %get3A_27 = vector.load %arg3[%get3A_25, %get3A_26] : memref<1x8xf32, #tpu.memory_space<vmem>>, vector<1x8xf32>
      %add3A_28 = vector.broadcast %get3A_27 : vector<1x8xf32> to vector<4x8xf32>
      %add3A_29 = arith.addf %dot_general3A_24, %add3A_28 : vector<4x8xf32>
      %reduce_max3A = arith.constant dense<0xFF800000> : vector<4xf32>
      %reduce_max3A_30 = vector.multi_reduction <maximumf>, %add3A_29, %reduce_max3A [1] : vector<4x8xf32> to vector<4xf32>
      %broadcast_in_dim3A = vector.shape_cast %reduce_max3A_30 : vector<4xf32> to vector<4x1xf32>
      %sub3A = vector.broadcast %broadcast_in_dim3A : vector<4x1xf32> to vector<4x8xf32>
      %sub3A_31 = arith.subf %add3A_29, %sub3A : vector<4x8xf32>
      %exp3A = math.exp %sub3A_31 : vector<4x8xf32>
      %reduce_sum3A_32 = arith.constant dense<0.000000e+00> : vector<4xf32>
      %reduce_sum3A_33 = vector.multi_reduction <add>, %exp3A, %reduce_sum3A_32 [1] : vector<4x8xf32> to vector<4xf32>
      %broadcast_in_dim3A_34 = vector.shape_cast %reduce_sum3A_33 : vector<4xf32> to vector<4x1xf32>
      %div3A = vector.broadcast %broadcast_in_dim3A_34 : vector<4x1xf32> to vector<4x8xf32>
      %div3A_35 = arith.divf %exp3A, %div3A : vector<4x8xf32>
      %swap3A_36 = arith.constant 0 : index
      %swap3A_37 = arith.constant 0 : index
      %swap3A_38 = vector.load %arg4[%swap3A_36, %swap3A_37] : memref<4x8xf32, #tpu.memory_space<vmem>>, vector<4x8xf32>
      tpu.vector_store %arg4[%swap3A_36, %swap3A_37], %div3A_35 {strides = array<i32>} : memref<4x8xf32, #tpu.memory_space<vmem>>, vector<4x8xf32>,
      %reduce_sum3A_39 = arith.constant dense<0.000000e+00> : vector<8xf32>
      %reduce_sum3A_40 = vector.multi_reduction <add>, %div3A_35, %reduce_sum3A_39 [0] : vector<4x8xf32> to vector<8xf32>
      %broadcast_in_dim3A_41 = vector.shape_cast %reduce_sum3A_40 : vector<8xf32> to vector<8x1xf32>
      %broadcast_in_dim3A_42 = vector.broadcast %broadcast_in_dim3A_41 : vector<8x1xf32> to vector<8x128xf32>
      %swap3A_43 = arith.constant 0 : index
      %swap3A_44 = arith.constant 0 : index
      %swap3A_45 = vector.load %arg5[%swap3A_43, %swap3A_44] : memref<8x128xf32, #tpu.memory_space<vmem>>, vector<8x128xf32>
      tpu.vector_store %arg5[%swap3A_43, %swap3A_44], %broadcast_in_dim3A_42 {strides = array<i32>} : memref<8x128xf32, #tpu.memory_space<vmem>>, vector<8x128xf32>,
    } else {
    }
    return
  }
  func.func @transform_0(%arg0: i32) -> (i32, i32, i32) {
    %c0_i32 = arith.constant 0 : i32
    %c0_i32_0 = arith.constant 0 : i32
    %c0_i32_1 = arith.constant 0 : i32
    return %c0_i32, %arg0, %c0_i32_0 : i32, i32, i32
  }
  func.func @transform_1(%arg0: i32) -> (i32, i32) {
    %c0_i32 = arith.constant 0 : i32
    %c0_i32_0 = arith.constant 0 : i32
    %c0_i32_1 = arith.constant 0 : i32
    return %c0_i32, %c0_i32_0 : i32, i32
  }
  func.func @transform_2(%arg0: i32) -> (i32, i32) {
    %c0_i32 = arith.constant 0 : i32
    %c0_i32_0 = arith.constant 0 : i32
    %c0_i32_1 = arith.constant 0 : i32
    return %c0_i32, %c0_i32_0 : i32, i32
  }
  func.func @transform_3(%arg0: i32) -> (i32, i32) {
    %c0_i32 = arith.constant 0 : i32
    %c0_i32_0 = arith.constant 0 : i32
    %c0_i32_1 = arith.constant 0 : i32
    return %c0_i32, %c0_i32_0 : i32, i32
  }
  func.func @transform_4(%arg0: i32) -> (i32, i32) {
    %c0_i32 = arith.constant 0 : i32
    %c0_i32_0 = arith.constant 0 : i32
    %c0_i32_1 = arith.constant 0 : i32
    return %c0_i32, %c0_i32_0 : i32, i32
  }
}

module attributes {stable_mosaic.version = 14 : i64} {
  func.func @_mm1_body(%arg0: i32, %arg1: memref<512x2048xf32, #tpu.memory_space<vmem>>, %arg2: memref<2048x2048xbf16, #tpu.memory_space<vmem>>, %arg3: memref<1x2048xf32, #tpu.memory_space<vmem>>, %arg4: memref<512x2048xbf16, #tpu.memory_space<vmem>>) attributes {dimension_semantics = [#tpu.dimension_semantics<arbitrary>], iteration_bounds = array<i64: 16>, scalar_prefetch = 0 : i64, scratch_operands = 0 : i64, tpu.core_type = #tpu.core_type<tc>, window_params = [{transform_indices = @transform_0, window_bounds = array<i64: 512, 2048>}, {pipeline_mode = #tpu.pipeline_mode<synchronous>, transform_indices = @transform_1, window_bounds = array<i64: 2048, 2048>}, {pipeline_mode = #tpu.pipeline_mode<synchronous>, transform_indices = @transform_2, window_bounds = array<i64: 1, 2048>}, {transform_indices = @transform_3, window_bounds = array<i64: 512, 2048>}]} {
    %get3A = arith.constant 0 : index
    %get3A_0 = arith.constant 0 : index
    %get3A_1 = vector.load %arg1[%get3A, %get3A_0] : memref<512x2048xf32, #tpu.memory_space<vmem>>, vector<512x2048xf32>
    %convert_element_type3A = arith.truncf %get3A_1 : vector<512x2048xf32> to vector<512x2048xbf16>
    %get3A_2 = arith.constant 0 : index
    %get3A_3 = arith.constant 0 : index
    %get3A_4 = vector.load %arg2[%get3A_2, %get3A_3] : memref<2048x2048xbf16, #tpu.memory_space<vmem>>, vector<2048x2048xbf16>
    %dot_general3A = arith.constant dense<0.000000e+00> : vector<512x2048xf32>
    %dot_general3A_5 = tpu.matmul %convert_element_type3A, %get3A_4, %dot_general3A {dimension_numbers = #tpu.dot_dimension_numbers<[1], [0], [0], [1], [0, 0, 1, 1], [], []>, transpose_lhs_hint = false} : vector<512x2048xbf16>, vector<2048x2048xbf16>, vector<512x2048xf32> -> vector<512x2048xf32>
    %get3A_6 = arith.constant 0 : index
    %get3A_7 = arith.constant 0 : index
    %get3A_8 = vector.load %arg3[%get3A_6, %get3A_7] : memref<1x2048xf32, #tpu.memory_space<vmem>>, vector<1x2048xf32>
    %add3A = vector.broadcast %get3A_8 : vector<1x2048xf32> to vector<512x2048xf32>
    %add3A_9 = arith.addf %dot_general3A_5, %add3A : vector<512x2048xf32>
    %mul3A = arith.constant 5.000000e-01 : f32
    %mul3A_10 = vector.broadcast %mul3A : f32 to vector<512x2048xf32>
    %mul3A_11 = arith.mulf %mul3A_10, %add3A_9 : vector<512x2048xf32>
    %mul3A_12 = arith.constant 0.707106769 : f32
    %mul3A_13 = vector.broadcast %mul3A_12 : f32 to vector<512x2048xf32>
    %mul3A_14 = arith.mulf %add3A_9, %mul3A_13 : vector<512x2048xf32>
    %erf3A = math.erf %mul3A_14 : vector<512x2048xf32>
    %add3A_15 = arith.constant 1.000000e+00 : f32
    %add3A_16 = vector.broadcast %add3A_15 : f32 to vector<512x2048xf32>
    %add3A_17 = arith.addf %add3A_16, %erf3A : vector<512x2048xf32>
    %mul3A_18 = arith.mulf %mul3A_11, %add3A_17 : vector<512x2048xf32>
    %convert_element_type3A_19 = arith.truncf %mul3A_18 : vector<512x2048xf32> to vector<512x2048xbf16>
    %swap3A = arith.constant 0 : index
    %swap3A_20 = arith.constant 0 : index
    %swap3A_21 = vector.load %arg4[%swap3A, %swap3A_20] : memref<512x2048xbf16, #tpu.memory_space<vmem>>, vector<512x2048xbf16>
    tpu.vector_store %arg4[%swap3A, %swap3A_20], %convert_element_type3A_19 {strides = array<i32>} : memref<512x2048xbf16, #tpu.memory_space<vmem>>, vector<512x2048xbf16>,
    return
  }
  func.func @transform_0(%arg0: i32) -> (i32, i32) {
    %c0_i32 = arith.constant 0 : i32
    %c0_i32_0 = arith.constant 0 : i32
    return %arg0, %c0_i32 : i32, i32
  }
  func.func @transform_1(%arg0: i32) -> (i32, i32) {
    %c0_i32 = arith.constant 0 : i32
    %c0_i32_0 = arith.constant 0 : i32
    %c0_i32_1 = arith.constant 0 : i32
    return %c0_i32, %c0_i32_0 : i32, i32
  }
  func.func @transform_2(%arg0: i32) -> (i32, i32) {
    %c0_i32 = arith.constant 0 : i32
    %c0_i32_0 = arith.constant 0 : i32
    %c0_i32_1 = arith.constant 0 : i32
    return %c0_i32, %c0_i32_0 : i32, i32
  }
  func.func @transform_3(%arg0: i32) -> (i32, i32) {
    %c0_i32 = arith.constant 0 : i32
    %c0_i32_0 = arith.constant 0 : i32
    return %arg0, %c0_i32 : i32, i32
  }
}

module attributes {stable_mosaic.version = 14 : i64} {
  func.func @_mm2_body(%arg0: i32, %arg1: memref<512x2048xbf16, #tpu.memory_space<vmem>>, %arg2: memref<2048x2048xf32, #tpu.memory_space<vmem>>, %arg3: memref<512x2048xf32, #tpu.memory_space<vmem>>) attributes {dimension_semantics = [#tpu.dimension_semantics<arbitrary>], iteration_bounds = array<i64: 16>, scalar_prefetch = 0 : i64, scratch_operands = 0 : i64, tpu.core_type = #tpu.core_type<tc>, window_params = [{transform_indices = @transform_0, window_bounds = array<i64: 512, 2048>}, {pipeline_mode = #tpu.pipeline_mode<synchronous>, transform_indices = @transform_1, window_bounds = array<i64: 2048, 2048>}, {transform_indices = @transform_2, window_bounds = array<i64: 512, 2048>}]} {
    %get3A = arith.constant 0 : index
    %get3A_0 = arith.constant 0 : index
    %get3A_1 = vector.load %arg2[%get3A, %get3A_0] : memref<2048x2048xf32, #tpu.memory_space<vmem>>, vector<2048x2048xf32>
    %convert_element_type3A = arith.truncf %get3A_1 : vector<2048x2048xf32> to vector<2048x2048xbf16>
    %get3A_2 = arith.constant 0 : index
    %get3A_3 = arith.constant 0 : index
    %get3A_4 = vector.load %arg1[%get3A_2, %get3A_3] : memref<512x2048xbf16, #tpu.memory_space<vmem>>, vector<512x2048xbf16>
    %dot_general3A = arith.constant dense<0.000000e+00> : vector<512x2048xf32>
    %dot_general3A_5 = tpu.matmul %get3A_4, %convert_element_type3A, %dot_general3A {dimension_numbers = #tpu.dot_dimension_numbers<[1], [0], [0], [1], [0, 0, 1, 1], [], []>, transpose_lhs_hint = false} : vector<512x2048xbf16>, vector<2048x2048xbf16>, vector<512x2048xf32> -> vector<512x2048xf32>
    %swap3A = arith.constant 0 : index
    %swap3A_6 = arith.constant 0 : index
    %swap3A_7 = vector.load %arg3[%swap3A, %swap3A_6] : memref<512x2048xf32, #tpu.memory_space<vmem>>, vector<512x2048xf32>
    tpu.vector_store %arg3[%swap3A, %swap3A_6], %dot_general3A_5 {strides = array<i32>} : memref<512x2048xf32, #tpu.memory_space<vmem>>, vector<512x2048xf32>,
    return
  }
  func.func @transform_0(%arg0: i32) -> (i32, i32) {
    %c0_i32 = arith.constant 0 : i32
    %c0_i32_0 = arith.constant 0 : i32
    return %arg0, %c0_i32 : i32, i32
  }
  func.func @transform_1(%arg0: i32) -> (i32, i32) {
    %c0_i32 = arith.constant 0 : i32
    %c0_i32_0 = arith.constant 0 : i32
    %c0_i32_1 = arith.constant 0 : i32
    return %c0_i32, %c0_i32_0 : i32, i32
  }
  func.func @transform_2(%arg0: i32) -> (i32, i32) {
    %c0_i32 = arith.constant 0 : i32
    %c0_i32_0 = arith.constant 0 : i32
    return %arg0, %c0_i32 : i32, i32
  }
}

</mosaic_0001>

<sc_bundles>
// kernel: kernel.7.cloned.1.call-start
scs
__scs_entry_jumppad:
0x0: {  	(pc) =	sbr.rel $0x88, $3  }
0x1: {  	(tag) =	ssettag $0x0;
	lr =	simm.s32 $0x1  }
0x2: {  	[smem:$0x3F9B] =	sst lr;
	_ =	strace $0xD0000000  }
0x3: {  	_ = 	snop  }
0x4: {  	_ = 	snop  }
0x5: {  	_ = 	snop  }
0x6: {  	_ = 	snop  }
0x7: {  	_ = 	snop  }
__scs_overlays_trampoline_lowered:
0x8: {  	[smem:$0x3FAA] =	sst s0  }
0x9: {  	[smem:$0x3FAB] =	sst s1  }
0xa: {  	[smem:$0x3FAC] =	sst s2  }
0xb: {  	[smem:$0x3FAD] =	sst s3  }
0xc: {  	[smem:$0x3FAE] =	sst s4  }
0xd: {  	[smem:$0x3FAF] =	sst s5  }
0xe: {  	[smem:$0x3FB0] =	sst s6  }
0xf: {  	[smem:$0x3FB1] =	sst s7  }
0x10: {  	[smem:$0x3FB2] =	sst s8  }
0x11: {  	[smem:$0x3FB3] =	sst s9;
	s0 =	simm.s32 @!p0 $0x0  }
0x12: {  	s1 =	sld [smem:$0x3F99];
	s0 =	simm.s32 @p0 $0x1  }
0x13: {  	[smem:$0x3FB4] =	sst s0;
	s0 =	simm.s32 @!p1 $0x0  }
0x14: {  	s2 =	sld [smem:$0x3F98];
	s0 =	simm.s32 @p1 $0x1  }
0x15: {  	[smem:$0x3FB5] =	sst s0;
	s0 =	simm.s32 @!p2 $0x0  }
0x16: {  	s3 =	sld [smem:$0x3FDB];
	s0 =	simm.s32 @p2 $0x1  }
0x17: {  	s4 =	simm.s32 $0x1BF5;
	[smem:$0x3FB7] =	sst s0  }
0x18: {  	s0 =	sld [smem:$0x3F9A];
	_ =	swait.ge [sflag:s4], $0x0  }
0x19: {  	s7 =	sld [smem:$0x3F9B]  }
0x1a: {  	s8 =	sadd.s32 $0xFFFFE003, lr  }
0x1b: {  	s9 =	sadd.s32 $0xFFFFFEF7, lr;
	s5 =	simm.s32 $0xFFFFFFFF;
	p2 =	slt.u32 s8, $0xFFFFF086  }
0x1c: {  	p1 =	slt.u32 s9, $0xF7A;
	s5 =	simm.s32 @!p2 $0x0  }
0x1d: {  	s5 =	simm.s32 @p1 $0x1;
	p0 =	seq.s32 s7, s2  }
0x1e: {  	s7 =	smul.u32 @!p0 $0xF7A, s2;
	p2 =	seq.s32 @!p0 s5, $0x0  }
0x1f: {  	s9 =	smul.u32 $0xF7A, s1;
	s8 =	simm.s32 @!p0 $0x1BF5;
	p2 =	por !p2, p0  }
0x20: {  	[sflag:s8] =	ssyncset.s32 @!p0 $0xFFFFF086;
	s6 =	sadd.s32 @!p0 s3, s7;
	s7 =	simm.s32 @!p0 $0x108  }
0x21: {  	s3 =	sadd.s32 s3, s9;
	s6 =	sadd.s32 @!p0 $0x88, s6;
	s7 =	simm.s32 @p2 $0x1082  }
0x22: {  	[simem:s7], [sflag:s8] =	dma.local @!p0 [hbm:s6], $0xF7A  }
0x23: {  	s9 =	sor.u32 $0xD0000000, s2;
	s6 =	simm.s32 $0x108;
	_ =	swait.ge @!p0 [sflag:s8], $0x0  }
0x24: {  	s3 =	sadd.s32 $0x88, s3;
	s6 =	simm.s32 @!p1 $0x1082;
	[sflag:s4] =	ssyncset.s32 $0xFFFFF086  }
0x25: {  	[simem:s6], [sflag:s4] =	dma.local [hbm:s3], $0xF7A  }
0x26: {  	[smem:$0x3F9B] =	sst s1;
	(tag) =	ssettag s2;
	_ =	strace s9  }
0x27: {  	s1 =	sld [smem:$0x3FAB]  }
0x28: {  	s2 =	sld [smem:$0x3FAC]  }
0x29: {  	s4 =	sld [smem:$0x3FAE]  }
0x2a: {  	p0 =	seq.s32 s5, $0x0;
	s5 =	sld [smem:$0x3FAF]  }
0x2b: {  	s6 =	sld [smem:$0x3FB0]  }
0x2c: {  	s7 =	sld [smem:$0x3FB1]  }
0x2d: {  	s3 =	simm.s32 $0x108;
	s8 =	sld [smem:$0x3FB2]  }
0x2e: {  	s3 =	simm.s32 @!p0 $0x1082;
	s9 =	sld [smem:$0x3FB3]  }
0x2f: {  	lr =	sadd.s32 s0, s3;
	s0 =	sld [smem:$0x3FAA]  }
0x30: {  	s3 =	sld [smem:$0x3FAD]  }
0x31: {  	[smem:$0x3FB6] =	sst s10  }
0x32: {  	s10 =	sld [smem:$0x3FB4];
	_ =	sdelay $0x3  }
0x33: {  	p0 =	seq.s32 s10, $0x1;
	s10 =	sld [smem:$0x3FB6];
	_ =	sdelay $0x3  }
0x34: {  	[smem:$0x3FB6] =	sst s10  }
0x35: {  	s10 =	sld [smem:$0x3FB5];
	_ =	sdelay $0x3  }
0x36: {  	p1 =	seq.s32 s10, $0x1;
	s10 =	sld [smem:$0x3FB6];
	_ =	sdelay $0x3  }
0x37: {  	[smem:$0x3FB6] =	sst s10  }
0x38: {  	s10 =	sld [smem:$0x3FB7]  }
0x39: {  	_ = 	snop;
	(pc) =	sbr.ind lr, $3  }
0x3a: {  	_ = 	snop  }
0x3b: {  	_ = 	snop  }
0x3c: {  	p2 =	seq.s32 s10, $0x1;
	s10 =	sld [smem:$0x3FB6]  }
0x3d: {  	_ =	shalt  }
0x3e: {  	_ =	shalt  }
0x3f: {  	_ =	shalt  }
0x40: {  	_ =	shalt  }
0x41: {  	_ =	shalt  }
0x42: {  	_ =	shalt  }
0x43: {  	_ =	shalt  }
0x44: {  	_ =	shalt  }
0x45: {  	_ =	shalt  }
0x46: {  	_ =	shalt  }
0x47: {  	_ =	shalt  }
0x48: {  	_ =	shalt  }
0x49: {  	_ =	shalt  }
0x4a: {  	_ =	shalt  }
0x4b: {  	_ =	shalt  }
0x4c: {  	_ =	shalt  }
0x4d: {  	_ =	shalt  }
0x4e: {  	_ =	shalt  }
0x4f: {  	_ =	shalt  }
0x50: {  	_ =	shalt  }
0x51: {  	_ =	shalt  }
0x52: {  	_ =	shalt  }
0x53: {  	_ =	shalt  }
0x54: {  	_ =	shalt  }
0x55: {  	_ =	shalt  }
0x56: {  	_ =	shalt  }
0x57: {  	_ =	shalt  }
0x58: {  	_ =	shalt  }
0x59: {  	_ =	shalt  }
0x5a: {  	_ =	shalt  }
0x5b: {  	_ =	shalt  }
0x5c: {  	_ =	shalt  }
0x5d: {  	_ =	shalt  }
0x5e: {  	_ =	shalt  }
0x5f: {  	_ =	shalt  }
0x60: {  	_ =	shalt  }
0x61: {  	_ =	shalt  }
0x62: {  	_ =	shalt  }
0x63: {  	_ =	shalt  }
0x64: {  	_ =	shalt  }
0x65: {  	_ =	shalt  }
0x66: {  	_ =	shalt  }
0x67: {  	_ =	shalt  }
0x68: {  	_ =	shalt  }
0x69: {  	_ =	shalt  }
0x6a: {  	_ =	shalt  }
0x6b: {  	_ =	shalt  }
0x6c: {  	_ =	shalt  }
0x6d: {  	_ =	shalt  }
0x6e: {  	_ =	shalt  }
0x6f: {  	_ =	shalt  }
0x70: {  	_ =	shalt  }
0x71: {  	_ =	shalt  }
0x72: {  	_ =	shalt  }
0x73: {  	_ =	shalt  }
0x74: {  	_ =	shalt  }
0x75: {  	_ =	shalt  }
0x76: {  	_ =	shalt  }
0x77: {  	_ =	shalt  }
0x78: {  	_ =	shalt  }
0x79: {  	_ =	shalt  }
0x7a: {  	_ =	shalt  }
0x7b: {  	_ =	shalt  }
0x7c: {  	_ =	shalt  }
0x7d: {  	_ =	shalt  }
0x7e: {  	_ =	shalt  }
0x7f: {  	_ =	shalt  }
0x80: {  	_ =	shalt  }
0x81: {  	_ =	shalt  }
0x82: {  	_ =	shalt  }
0x83: {  	_ =	shalt  }
0x84: {  	_ =	shalt  }
0x85: {  	_ =	shalt  }
0x86: {  	_ =	shalt  }
0x87: {  	_ =	shalt  }
.Lfunc_end0:
.L_simem_size_0:
called_computation_lowered:
.L_overlay_start_0:
0x88: {  	s2 =	sld [smem:$0x3FD9]  }
0x89: {  	s3 =	sld [smem:$0x3FFE];
	_ =	sdelay $0x1  }
0x8a: {  	s1 =	srdreg.scid  }
0x8b: {  	s0 =	sand.u32 $0x1, s1  }
0x8c: {  	s14 =	sshll.u32 s0, $0xA;
	s2 =	sadd.s32 s3, s2  }
0x8d: {  	s2 =	sadd.s32 s2, s14  }
0x8e: {  	[smem:$0x3FC2] =	sst s2  }
0x8f: {  	_ = 	snop  }
0x90: {  	s2 =	sld [smem:$0x3FD0];
	_ =	sdelay $0x2  }
0x91: {  	s4 =	simm.s32 $0xA;
	s5 =	simm.s32 $0x10;
	s15 =	sld [smem:$0x3FC4]  }
0x92: {  	[smem:s5], [sflag:s4] =	dma.local [hbm:s2], $0x1  }
0x93: {  	_ =	swait.eq [sflag:s4], $0x1  }
0x94: {  	[sflag:s4] =	ssyncset.done $0x0  }
0x95: {  	[sflag:s4] =	ssyncadd.s32 $0xFFFFFFFF  }
0x96: {  	s16 =	sld [smem:$0x10];
	(tm) =	ssettm $0x1  }
0x97: {  	s17 =	sld [smem:$0x3FFB];
	_ =	sdelay $0x3  }
0x98: {  	_ =	strace s17  }
0x99: {  	s4 =	sld [smem:$0x3FFC];
	_ =	sdelay $0x3  }
0x9a: {  	_ =	strace s4  }
0x9b: {  	s4 =	sld [smem:$0x3FFD];
	_ =	sdelay $0x3  }
0x9c: {  	_ =	strace s4  }
0x9d: {  	_ =	strace $0x8FFFFFFF  }
0x9e: {  	s18 =	sld [smem:$0x3FDB];
	_ =	sdelay $0x1  }
0x9f: {  	s19 =	simm.s32 $_scs_section_size  }
0xa0: {  	s6 =	simm.s32 $_size__tile_overlayer_lowered;
	s7 =	simm.s32 $_tile_overlayer_lowered  }
0xa1: {  	s22 =	simm.s32 $0x1BFF;
	s21 =	sshll.u32 s7, $0x1;
	s4 =	sadd.s32 s19, s18  }
0xa2: {  	s8 =	simm.s32 $0x0;
	s20 =	sshll.u32 s6, $0x1;
	s6 =	sadd.s32 s21, s4  }
0xa3: {  	[timem:s8], [sflag:s22] =	dma.local [hbm:s6], s20  }
0xa4: {  	_ =	swait.ge [sflag:s22], s20  }
0xa5: {  	s5 =	ssub.s32 $0x0, s20;
	[sflag:s22] =	ssyncset.done $0x0  }
0xa6: {  	[sflag:s22] =	ssyncadd.s32 s5;
	_ =	sdelay $0x1  }
0xa7: {  	s23 =	simm.s32 $0x1B8B  }
0xa8: {  	_ =	swait.ge [sflag:s23], $0x1  }
0xa9: {  	[sflag:s23] =	ssyncset.done $0x0  }
0xaa: {  	s25 =	simm.s32 $0x1B8E;
	s24 =	sld [smem:$0x3FFE];
	[sflag:s23] =	ssyncadd.s32 $0xFFFFFFFF  }
0xab: {  	s26 =	simm.s32 $execute0_lowered;
	[smem:$0x3FD2] =	sst s25  }
0xac: {  	s6 =	sshll.u32 s26, $0x1;
	_ =	strace $0x80000046;
	[dreg:$0x1] =	wrdreg $0xFFFFFFFF  }
0xad: {  	s28 =	simm.s32 $_size_execute0_lowered;
	s4 =	sadd.s32 s4, s6;
	[dreg:$0x0] =	wrdreg $0x0  }
0xae: {  	s6 =	sshll.u32 s28, $0x1;
	[dreg:$0x2] =	wrdreg s4  }
0xaf: {  	[dreg:$0x3] =	wrdreg s6  }
0xb0: {  	[dreg:$0x4] =	wrdreg $0xC0  }
0xb1: {  	_ =	task [dreg:s8], $0x5FFFF  }
0xb2: {  	[dreg:$0x1] =	wrdreg $0xFFFFFFFF  }
0xb3: {  	[dreg:$0x0] =	wrdreg $0x60  }
0xb4: {  	[dreg:$0x2] =	wrdreg s15  }
0xb5: {  	[dreg:$0x3] =	wrdreg s24  }
0xb6: {  	[dreg:$0x4] =	wrdreg s16  }
0xb7: {  	[dreg:$0x5] =	wrdreg $0x9  }
0xb8: {  	_ =	task.clear_ibuf [dreg:s8], $0x6FFFF;
	_ =	strace $0x90000046  }
0xb9: {  	s29 =	simm.s32 $0x9;
	_ =	strace $0x80000048  }
0xba: {  	_ =	swait.ge [sflag:s29], $0x1  }
0xbb: {  	[sflag:s29] =	ssyncadd.s32 $0xFFFFFFFF  }
0xbc: {  	_ =	strace $0x90000048  }
0xbd: {  	_ =	sfence  }
0xbe: {  	s30 =	sld [smem:$0x0];
	_ =	sdelay $0x2  }
0xbf: {  	s31 =	sshll.u32 s1, $0xD;
	s1 =	sshrl.u32 s1, $0x2  }
0xc0: {  	s3 =	sand.u32 $0x4000, s31;
	s1 =	sadd.s32 s1, s30  }
0xc1: {  	s0 =	sor.u32 s3, s0;
	s1 =	sshll.u32 s1, $0x11  }
0xc2: {  	s0 =	sor.u32 s1, s0  }
0xc3: {  	s0 =	sadd.s32 $0x8F2B, s0  }
0xc4: {  	[sflag:s0] =	ssyncadd.remote.s32 $0x1  }
0xc5: {  	_ =	sfence.sel $0xFFFF  }
0xc6: {  	[dreg:$0x0] =	wrdreg $0xFFFFFFFF;
	(pc) =	sbr.abs _section_cstart, $3  }
0xc7: {  	[dreg:$0x1] =	wrdreg $0xFFFFFFFF  }
0xc8: {  	_ =	task.clear_ibuf [dreg:s8], $0x2FFFF;
	_ =	strace $0x9FFFFFFF  }
0xc9: {  	(tm) =	ssettm $0x7FFFFFFF  }
tec
execute0_lowered:
.L_overlay_start_1:
0x0: {  	(tag) =	ssettag $0x1  }
0x1: {  	s1 =	rddreg [dreg:$0x0]  }
0x2: {  	s0 =	rddreg [dreg:$0x1]  }
0x3: {  	s3 =	rddreg [dreg:$0x2];
	s2 =	srdreg.scid;
	s5 =	simm.s32 $0x0  }
0x4: {  	s4 =	stileid.u32;
	s28 =	simm.s32 $0x1;
	s2 =	sand.u32 $0x1, s2  }
0x5: {  	[smem:$0x7FF] =	sst s5;
	s4 =	sshll.u32 s4, $0x7;
	s19 =	sshll.u32 s2, $0x6  }
0x6: {  	s0 =	sadd.s32 $0x1200, s0;
	s8 =	sadd.s32 $0x100000, s1;
	s4 =	sor.u32 s19, s4  }
0x7: {  	s13 =	sadd.s32 $0x200000, s1;
	s14 =	sadd.s32 $0x300000, s1;
	s6 =	sshll.u32 s4, $0x8  }
0x8: {  	_ =	strace $0x80000047;
	[dreg:$0x4] =	wrdreg s0;
	s23 =	sadd.s32 s6, s8  }
0x9: {  	s2 =	ssub.s32 $0x2, s2;
	s25 =	sadd.s32 s6, s13;
	[dreg:$0x7] =	wrdreg s23  }
0xa: {  	s20 =	sshrl.u32 s2, $0x1;
	s31 =	sadd.s32 s6, s14;
	[dreg:$0x9] =	wrdreg s25  }
0xb: {  	s0 =	ssub.s32 s2, s20;
	s21 =	sadd.s32 s1, s6;
	[dreg:$0xb] =	wrdreg s31  }
0xc: {  	s29 =	simm.s32 $0x10400;
	s0 =	smax.u32 s0, $0x1;
	[dreg:$0x5] =	wrdreg s21  }
0xd: {  	s30 =	simm.s32 $0x2;
	s22 =	sadd.s32 $0x80000, s21;
	[dreg:$0xd] =	wrdreg s0  }
0xe: {  	s9 =	sshll.u32 s4, $0xB;
	s24 =	sadd.s32 $0x180000, s21;
	[dreg:$0x6] =	wrdreg s22  }
0xf: {  	s20 =	simm.s32 $0x3;
	s26 =	sadd.s32 $0x280000, s21;
	[dreg:$0x8] =	wrdreg s24  }
0x10: {  	s2 =	sadd.s32 $0x380000, s21;
	s21 =	simm.s32 $0x100;
	[dreg:$0xa] =	wrdreg s26  }
0x11: {  	s25 =	simm.s32 $0xE400;
	[dreg:$0xc] =	wrdreg s2;
	s22 =	simm.s32 $0x400  }
0x12: {  	s24 =	simm.s32 $0xD400;
	s26 =	simm.s32 $0xF400;
	s2 =	simm.s32 $0x0  }
.LBB2_1:
0x13: {  	[dreg:$0xe] =	wrdreg s2  }
0x14: {  	s0 =	simm.s32 $0x0;
	s23 =	rddreg [dreg:$0x4]  }
0x15: {  	[tilespmem:s0], [sflag:$0x3] =	stream.linear.gather [hbm4b:s23+s0], $0x400, $0x38;
	[tilespmem:$0x11400] =	vst v63  }
0x16: {  	_ =	swait.ge [sflag:s20], $0x400  }
0x17: {  	[sflag:s20] =	ssyncset.done $0x0  }
0x18: {  	[sflag:s20] =	ssyncadd.s32 $0xFFFFFC00  }
0x19: {  	v0 =	vld [tilespmem:$0x0]  }
0x1a: {  	v1 =	vld [tilespmem:$0x80]  }
0x1b: {  	v2 =	vld [tilespmem:$0x100]  }
0x1c: {  	v3 =	vld [tilespmem:$0x180]  }
0x1d: {  	v4 =	vld [tilespmem:$0x200]  }
0x1e: {  	v5 =	vld [tilespmem:$0x280]  }
0x1f: {  	s31 =	rddreg [dreg:$0x5];
	v6 =	vld [tilespmem:$0x300]  }
0x20: {  	v7 =	vld [tilespmem:$0x380];
	[tilespmem:s22], [sflag:$0x1] =	stream.strided.gather [hbm4b:s31+s21], $0x1000, s22, s21, $0x38  }
0x21: {  	s4 =	simm.s32 $0x1400;
	s2 =	rddreg [dreg:$0x6]  }
0x22: {  	[tilespmem:s4], [sflag:$0x1] =	stream.strided.gather [hbm4b:s2+s21], $0x1000, s22, s21, $0x38;
	[tilespmem:$0x11400] =	vst v63  }
0x23: {  	s7 =	simm.s32 $0x2400;
	s5 =	rddreg [dreg:$0x7]  }
0x24: {  	[tilespmem:s7], [sflag:$0x1] =	stream.strided.gather [hbm4b:s5+s21], $0x1000, s22, s21, $0x38;
	[tilespmem:$0x11400] =	vst v63  }
0x25: {  	s11 =	simm.s32 $0x3400;
	s10 =	rddreg [dreg:$0x8]  }
0x26: {  	[tilespmem:s11], [sflag:$0x1] =	stream.strided.gather [hbm4b:s10+s21], $0x1000, s22, s21, $0x38;
	[tilespmem:$0x11400] =	vst v63  }
0x27: {  	s15 =	simm.s32 $0x4400;
	s12 =	rddreg [dreg:$0x9]  }
0x28: {  	[tilespmem:s15], [sflag:$0x1] =	stream.strided.gather [hbm4b:s12+s21], $0x1000, s22, s21, $0x38;
	[tilespmem:$0x11400] =	vst v63  }
0x29: {  	s17 =	simm.s32 $0x5400;
	s16 =	rddreg [dreg:$0xa]  }
0x2a: {  	[tilespmem:s17], [sflag:$0x1] =	stream.strided.gather [hbm4b:s16+s21], $0x1000, s22, s21, $0x38;
	[tilespmem:$0x11400] =	vst v63  }
0x2b: {  	s19 =	simm.s32 $0x6400;
	s18 =	rddreg [dreg:$0xb]  }
0x2c: {  	[tilespmem:s19], [sflag:$0x1] =	stream.strided.gather [hbm4b:s18+s21], $0x1000, s22, s21, $0x38;
	[tilespmem:$0x11400] =	vst v63  }
0x2d: {  	s23 =	rddreg [dreg:$0xc];
	s31 =	simm.s32 $0x7400;
	s10 =	simm.s32 $0x0  }
0x2e: {  	[tilespmem:s31], [sflag:$0x1] =	stream.strided.gather [hbm4b:s23+s21], $0x1000, s22, s21, $0x38;
	[tilespmem:$0x11400] =	vst v63  }
.LBB2_2:
0x2f: {  	s11 =	sshllo.u32 s10, $0x1  }
0x30: {  	s0 =	sshll.u32 s10, $0xD;
	s2 =	sshll.u32 s11, $0x8  }
0x31: {  	s0 =	sand.u32 $0x1C000, s0;
	s2 =	sand.u32 $0x300, s2  }
0x32: {  	s0 =	sor.u32 s2, s0  }
0x33: {  	s0 =	sor.u32 s9, s0  }
0x34: {  	s0 =	sshrl.u32 s0, $0x3  }
0x35: {  	s15 =	simm.s32 $0x8400;
	s0 =	sadd.s32 s1, s0  }
0x36: {  	[tilespmem:s15], [sflag:$0x2] =	stream.strided.gather [hbm4b:s0+s21], $0x1000, s22, s21, $0x38;
	[tilespmem:$0x11400] =	vst v63  }
0x37: {  	s4 =	simm.s32 $0x9400;
	s16 =	sadd.s32 $0x80000, s0  }
0x38: {  	[tilespmem:s4], [sflag:$0x2] =	stream.strided.gather [hbm4b:s16+s21], $0x1000, s22, s21, $0x38;
	[tilespmem:$0x11400] =	vst v63  }
0x39: {  	s18 =	simm.s32 $0xA400;
	s17 =	sadd.s32 $0x100000, s0  }
0x3a: {  	[tilespmem:s18], [sflag:$0x2] =	stream.strided.gather [hbm4b:s17+s21], $0x1000, s22, s21, $0x38;
	[tilespmem:$0x11400] =	vst v63  }
0x3b: {  	s23 =	simm.s32 $0xB400;
	s19 =	sadd.s32 $0x180000, s0  }
0x3c: {  	[tilespmem:s23], [sflag:$0x2] =	stream.strided.gather [hbm4b:s19+s21], $0x1000, s22, s21, $0x38;
	[tilespmem:$0x11400] =	vst v63  }
0x3d: {  	s7 =	simm.s32 $0xC400;
	s5 =	sadd.s32 $0x200000, s0  }
0x3e: {  	[tilespmem:s7], [sflag:$0x2] =	stream.strided.gather [hbm4b:s5+s21], $0x1000, s22, s21, $0x38;
	[tilespmem:$0x11400] =	vst v63  }
0x3f: {  	s12 =	sadd.s32 $0x280000, s0  }
0x40: {  	[tilespmem:s24], [sflag:$0x2] =	stream.strided.gather [hbm4b:s12+s21], $0x1000, s22, s21, $0x38;
	[tilespmem:$0x11400] =	vst v63  }
0x41: {  	s15 =	sadd.s32 $0x300000, s0  }
0x42: {  	[tilespmem:s25], [sflag:$0x2] =	stream.strided.gather [hbm4b:s15+s21], $0x1000, s22, s21, $0x38;
	[tilespmem:$0x11400] =	vst v63  }
0x43: {  	s0 =	sadd.s32 $0x380000, s0  }
0x44: {  	[tilespmem:s26], [sflag:$0x2] =	stream.strided.gather [hbm4b:s0+s21], $0x1000, s22, s21, $0x38;
	[tilespmem:$0x11400] =	vst v63  }
0x45: {  	s16 =	simm.s32 $0x0;
	_ =	swait.ge [sflag:s28], $0x8000  }
0x46: {  	s12 =	sand.u32 $0x70, s16;
	s16 =	sand.u32 $0xF00, s16;
	[sflag:s28] =	ssyncset.done $0x0  }
0x47: {  	s5 =	sor.u32 s12, s16;
	[sflag:s28] =	ssyncadd.s32 $0xFFFF8000  }
0x48: {  	v8 =	vld [tilespmem:s5+$0x400]  }
0x49: {  	v9 =	vld [tilespmem:s5+$0x1400];
	_ =	sdelay $0x1  }
0x4a: {  	v10 =	vld [tilespmem:s5+$0x2400];
	_ =	sdelay $0x1  }
0x4b: {  	s17 =	simm.s32 $0x10;
	s18 =	simm.s32 $0x20;
	v11 =	vld [tilespmem:s5+$0x3400]  }
0x4c: {  	s17 =	sand.u32 $0x70, s17;
	s18 =	sand.u32 $0xF00, s18;
	v12 =	vld [tilespmem:s5+$0x5400];
	v8 =	vmul.f32 v8, v0;
	v9 =	vmul.f32 v9, v1  }
0x4d: {  	s7 =	sor.u32 s17, s18;
	v13 =	vld [tilespmem:s5+$0x4400]  }
0x4e: {  	v14 =	vld [tilespmem:s7+$0x400];
	v8 =	vadd.f32 v9, v8;
	v9 =	vmul.f32 v10, v2  }
0x4f: {  	v16 =	vld [tilespmem:s7+$0x1400]  }
0x50: {  	v18 =	vld [tilespmem:s5+$0x6400];
	v10 =	vmul.f32 v11, v3;
	v8 =	vadd.f32 v9, v8  }
0x51: {  	v9 =	vld [tilespmem:s7+$0x2400]  }
0x52: {  	v19 =	vmul.f32 v13, v4;
	v11 =	vld [tilespmem:s5+$0x7400];
	v17 =	vadd.f32 v10, v8  }
0x53: {  	s19 =	simm.s32 $0x20;
	s0 =	simm.s32 $0x40;
	v15 =	vmul.f32 v12, v5;
	v10 =	vld [tilespmem:s7+$0x3400]  }
0x54: {  	s19 =	sand.u32 $0x70, s19;
	s23 =	sand.u32 $0xF00, s0;
	v13 =	vmul.f32 v14, v0;
	v14 =	vmul.f32 v16, v1;
	v12 =	vld [tilespmem:s7+$0x4400];
	v17 =	vadd.f32 v19, v17  }
0x55: {  	s2 =	simm.s32 $0x30;
	s15 =	sshll.u32 s10, $0x1;
	s31 =	sor.u32 s19, s23;
	v16 =	vmul.f32 v18, v6;
	v8 =	vld [tilespmem:s7+$0x5400]  }
.LBB2_3:
0x56: {  	p0 =	sne.s32 s2, $0x7F0;
	v18 =	vld [tilespmem:s31+$0x400];
	v13 =	vadd.f32 v14, v13;
	v9 =	vmul.f32 v9, v2;
	v14 =	vadd.f32 v15, v17  }
0x57: {  	v17 =	vld [tilespmem:s31+$0x1400];
	v15 =	vmul.f32 v11, v7  }
0x58: {  	v11 =	vadd.f32 v9, v13;
	v10 =	vmul.f32 v10, v3;
	v19 =	vld [tilespmem:s7+$0x6400];
	v13 =	vadd.f32 v16, v14  }
.Ltmp0:
0x59: {  	v9 =	vld [tilespmem:s31+$0x2400];
	(pc) =	sbr.rel @p0 .LBB2_3-.Ltmp0, $4  }
0x5a: {  	v16 =	vadd.f32 v10, v11;
	v12 =	vmul.f32 v12, v4;
	v11 =	vld [tilespmem:s7+$0x7400];
	v20 =	vadd.f32 v15, v13  }
0x5b: {  	s0 =	sadd.s32 $0x20, s0;
	v15 =	vmul.f32 v8, v5;
	v10 =	vld [tilespmem:s31+$0x3400]  }
0x5c: {  	s4 =	sand.u32 $0x70, s2;
	s23 =	sand.u32 $0xF00, s0;
	v13 =	vmul.f32 v18, v0;
	v14 =	vmul.f32 v17, v1;
	v8 =	vld [tilespmem:s31+$0x5400];
	v17 =	vadd.f32 v12, v16;
	[tilespmem:s5+$0x10400] =	vst v20;
	s5 =	smov.u32 s7  }
0x5d: {  	s2 =	sadd.s32 $0x10, s2;
	s7 =	smov.u32 s31;
	v12 =	vld [tilespmem:s31+$0x4400];
	v16 =	vmul.f32 v19, v6;
	s31 =	sor.u32 s4, s23  }
0x5e: {  	v18 =	vld [tilespmem:s31+$0x400];
	v15 =	vadd.f32 v15, v17  }
0x5f: {  	v17 =	vld [tilespmem:s31+$0x1400]  }
0x60: {  	v19 =	vld [tilespmem:s7+$0x6400];
	v11 =	vmul.f32 v11, v7;
	v15 =	vadd.f32 v16, v15  }
0x61: {  	v16 =	vld [tilespmem:s31+$0x2400]  }
0x62: {  	v20 =	vld [tilespmem:s7+$0x7400];
	v11 =	vadd.f32 v11, v15  }
0x63: {  	v15 =	vld [tilespmem:s31+$0x3400]  }
0x64: {  	v21 =	vld [tilespmem:s31+$0x5400];
	v17 =	vmul.f32 v17, v1;
	[tilespmem:s5+$0x10400] =	vst v11;
	v11 =	vmul.f32 v18, v0  }
0x65: {  	v13 =	vadd.f32 v14, v13;
	v9 =	vmul.f32 v9, v2;
	v14 =	vld [tilespmem:s31+$0x4400]  }
0x66: {  	v16 =	vmul.f32 v16, v2;
	v11 =	vadd.f32 v17, v11  }
0x67: {  	v9 =	vadd.f32 v9, v13;
	v10 =	vmul.f32 v10, v3  }
0x68: {  	v13 =	vmul.f32 v15, v3;
	v11 =	vadd.f32 v16, v11  }
0x69: {  	v9 =	vadd.f32 v10, v9;
	v10 =	vmul.f32 v12, v4;
	v12 =	vld [tilespmem:s31+$0x6400]  }
0x6a: {  	v11 =	vadd.f32 v13, v11;
	v13 =	vmul.f32 v14, v4  }
0x6b: {  	v8 =	vmul.f32 v8, v5;
	v9 =	vadd.f32 v10, v9;
	v10 =	vld [tilespmem:s31+$0x7400]  }
0x6c: {  	v14 =	vmul.f32 v21, v5;
	v11 =	vadd.f32 v13, v11  }
0x6d: {  	v8 =	vadd.f32 v8, v9;
	v13 =	vmul.f32 v19, v6  }
0x6e: {  	v9 =	vmul.f32 v12, v6;
	v11 =	vadd.f32 v14, v11  }
0x6f: {  	v12 =	vmul.f32 v20, v7;
	v8 =	vadd.f32 v13, v8  }
0x70: {  	v10 =	vmul.f32 v10, v7;
	v9 =	vadd.f32 v9, v11  }
0x71: {  	v8 =	vadd.f32 v12, v8  }
0x72: {  	v9 =	vadd.f32 v10, v9  }
0x73: {  	[tilespmem:s7+$0x10400] =	vst v8  }
0x74: {  	s5 =	sor.u32 s16, s12;
	[tilespmem:s31+$0x10400] =	vst v9  }
0x75: {  	v8 =	vld [tilespmem:s5+$0x480]  }
0x76: {  	v9 =	vld [tilespmem:s5+$0x1480];
	_ =	sdelay $0x1  }
0x77: {  	v10 =	vld [tilespmem:s5+$0x2480];
	_ =	sdelay $0x1  }
0x78: {  	v11 =	vld [tilespmem:s5+$0x3480]  }
0x79: {  	v12 =	vld [tilespmem:s5+$0x5480];
	v8 =	vmul.f32 v8, v0;
	v9 =	vmul.f32 v9, v1  }
0x7a: {  	s12 =	sor.u32 s18, s17;
	v13 =	vld [tilespmem:s5+$0x4480]  }
0x7b: {  	v14 =	vld [tilespmem:s12+$0x480];
	v8 =	vadd.f32 v9, v8;
	v9 =	vmul.f32 v10, v2  }
0x7c: {  	v16 =	vld [tilespmem:s12+$0x1480]  }
0x7d: {  	v18 =	vld [tilespmem:s5+$0x6480];
	v8 =	vadd.f32 v9, v8;
	v9 =	vmul.f32 v11, v3  }
0x7e: {  	v10 =	vld [tilespmem:s12+$0x2480]  }
0x7f: {  	v19 =	vmul.f32 v13, v4;
	v11 =	vld [tilespmem:s5+$0x7480];
	v17 =	vadd.f32 v9, v8  }
0x80: {  	s0 =	simm.s32 $0x40;
	v15 =	vmul.f32 v12, v5;
	v9 =	vld [tilespmem:s12+$0x3480]  }
0x81: {  	s2 =	sand.u32 $0xF00, s0;
	v13 =	vmul.f32 v14, v0;
	v14 =	vmul.f32 v16, v1;
	v12 =	vld [tilespmem:s12+$0x4480];
	v17 =	vadd.f32 v19, v17  }
0x82: {  	s7 =	sor.u32 s2, s19;
	s2 =	simm.s32 $0x30;
	v16 =	vmul.f32 v18, v6;
	v8 =	vld [tilespmem:s12+$0x5480]  }
.LBB2_5:
0x83: {  	p0 =	sne.s32 s2, $0x7F0;
	v18 =	vld [tilespmem:s7+$0x480];
	v13 =	vadd.f32 v14, v13;
	v10 =	vmul.f32 v10, v2;
	v14 =	vadd.f32 v15, v17  }
0x84: {  	v17 =	vld [tilespmem:s7+$0x1480];
	v15 =	vmul.f32 v11, v7  }
0x85: {  	v11 =	vadd.f32 v10, v13;
	v9 =	vmul.f32 v9, v3;
	v19 =	vld [tilespmem:s12+$0x6480];
	v13 =	vadd.f32 v16, v14  }
.Ltmp1:
0x86: {  	v10 =	vld [tilespmem:s7+$0x2480];
	(pc) =	sbr.rel @p0 .LBB2_5-.Ltmp1, $4  }
0x87: {  	v16 =	vadd.f32 v9, v11;
	v12 =	vmul.f32 v12, v4;
	v11 =	vld [tilespmem:s12+$0x7480];
	v20 =	vadd.f32 v15, v13  }
0x88: {  	s0 =	sadd.s32 $0x20, s0;
	v15 =	vmul.f32 v8, v5;
	v9 =	vld [tilespmem:s7+$0x3480]  }
0x89: {  	s4 =	sand.u32 $0x70, s2;
	s16 =	sand.u32 $0xF00, s0;
	v13 =	vmul.f32 v18, v0;
	v14 =	vmul.f32 v17, v1;
	v8 =	vld [tilespmem:s7+$0x5480];
	v17 =	vadd.f32 v12, v16;
	[tilespmem:s5+$0x10480] =	vst v20;
	s5 =	smov.u32 s12  }
0x8a: {  	s2 =	sadd.s32 $0x10, s2;
	s12 =	smov.u32 s7;
	v12 =	vld [tilespmem:s7+$0x4480];
	v16 =	vmul.f32 v19, v6;
	s7 =	sor.u32 s16, s4  }
0x8b: {  	v18 =	vld [tilespmem:s7+$0x480];
	v15 =	vadd.f32 v15, v17  }
0x8c: {  	v17 =	vld [tilespmem:s7+$0x1480]  }
0x8d: {  	v19 =	vld [tilespmem:s12+$0x6480];
	v11 =	vmul.f32 v11, v7;
	v15 =	vadd.f32 v16, v15  }
0x8e: {  	v16 =	vld [tilespmem:s7+$0x2480]  }
0x8f: {  	v20 =	vld [tilespmem:s12+$0x7480];
	v11 =	vadd.f32 v11, v15  }
0x90: {  	v15 =	vld [tilespmem:s7+$0x3480]  }
0x91: {  	v21 =	vld [tilespmem:s7+$0x5480];
	v17 =	vmul.f32 v17, v1;
	[tilespmem:s5+$0x10480] =	vst v11;
	v11 =	vmul.f32 v18, v0  }
0x92: {  	v13 =	vadd.f32 v14, v13;
	v10 =	vmul.f32 v10, v2;
	v14 =	vld [tilespmem:s7+$0x4480]  }
0x93: {  	v16 =	vmul.f32 v16, v2;
	v11 =	vadd.f32 v17, v11  }
0x94: {  	v10 =	vadd.f32 v10, v13;
	v9 =	vmul.f32 v9, v3  }
0x95: {  	v13 =	vmul.f32 v15, v3;
	v11 =	vadd.f32 v16, v11  }
0x96: {  	v9 =	vadd.f32 v9, v10;
	v10 =	vmul.f32 v12, v4;
	v12 =	vld [tilespmem:s7+$0x6480]  }
0x97: {  	v11 =	vadd.f32 v13, v11;
	v13 =	vmul.f32 v14, v4  }
0x98: {  	v8 =	vmul.f32 v8, v5;
	v9 =	vadd.f32 v10, v9;
	v10 =	vld [tilespmem:s7+$0x7480]  }
0x99: {  	v14 =	vmul.f32 v21, v5;
	v11 =	vadd.f32 v13, v11  }
0x9a: {  	v8 =	vadd.f32 v8, v9;
	v13 =	vmul.f32 v19, v6  }
0x9b: {  	v9 =	vmul.f32 v12, v6;
	v11 =	vadd.f32 v14, v11  }
0x9c: {  	v12 =	vmul.f32 v20, v7;
	v8 =	vadd.f32 v13, v8  }
0x9d: {  	v10 =	vmul.f32 v10, v7;
	v9 =	vadd.f32 v9, v11  }
0x9e: {  	s0 =	sshll.u32 s10, $0xA;
	s2 =	sshll.u32 s10, $0x6;
	v8 =	vadd.f32 v12, v8  }
0x9f: {  	s0 =	sand.u32 $0x3800, s0;
	s2 =	sand.u32 $0x40, s2;
	v9 =	vadd.f32 v10, v9  }
0xa0: {  	s5 =	sadd.s32 s3, s2;
	[tilespmem:s12+$0x10480] =	vst v8;
	s12 =	sor.u32 s6, s0  }
0xa1: {  	p0 =	seq.s32 s10, $0xF;
	s0 =	sadd.s32 s12, s5;
	[tilespmem:s7+$0x10480] =	vst v9  }
0xa2: {  	[hbm4b:s0+s21] =	stream.strided.scatter [tilespmem:s29], [sflag:$0x3], $0x1000, s22, s21, $0x38;
	[tilespmem:$0x11400] =	vst v63  }
0xa3: {  	s0 =	sadd.s32 @!p0 $0x2, s15  }
0xa4: {  	s2 =	sshll.u32 @!p0 s0, $0xC  }
0xa5: {  	s0 =	sshll.u32 @!p0 s0, $0x8;
	s2 =	sadd.s32 @!p0 s9, s2  }
0xa6: {  	s0 =	sand.u32 @!p0 $0x200, s0;
	s2 =	sand.u32 @!p0 $0x7FC000, s2  }
0xa7: {  	_ =	swait.ge [sflag:s20], $0x1000;
	s0 =	sor.u32 @!p0 s0, s2  }
0xa8: {  	s5 =	simm.s32 @!p0 $0x100;
	[sflag:s20] =	ssyncset.done $0x0;
	s2 =	sshrl.u32 @!p0 s0, $0x3  }
0xa9: {  	s7 =	simm.s32 @!p0 $0x400;
	[sflag:s20] =	ssyncadd.s32 $0xFFFFF000;
	s4 =	sadd.s32 @!p0 s1, s2  }
0xaa: {  	[tilespmem:s7], [sflag:$0x1] =	stream.strided.gather @!p0 [hbm4b:s4+s5], $0x1000, s7, s5, $0x38;
	[tilespmem:$0x11400] =	vst v63  }
0xab: {  	s4 =	sadd.s32 @!p0 $0x400000, s0  }
0xac: {  	s4 =	sshrl.u32 @!p0 s4, $0x3  }
0xad: {  	s15 =	simm.s32 @!p0 $0x1400;
	s4 =	sadd.s32 @!p0 s1, s4  }
0xae: {  	[tilespmem:s15], [sflag:$0x1] =	stream.strided.gather @!p0 [hbm4b:s4+s5], $0x1000, s7, s5, $0x38;
	[tilespmem:$0x11400] =	vst v63  }
0xaf: {  	s4 =	sadd.s32 @!p0 s2, s8;
	s15 =	simm.s32 @!p0 $0x2400  }
0xb0: {  	[tilespmem:s15], [sflag:$0x1] =	stream.strided.gather @!p0 [hbm4b:s4+s5], $0x1000, s7, s5, $0x38;
	[tilespmem:$0x11400] =	vst v63  }
0xb1: {  	s4 =	sadd.s32 @!p0 $0xC00000, s0  }
0xb2: {  	s4 =	sshrl.u32 @!p0 s4, $0x3  }
0xb3: {  	s15 =	simm.s32 @!p0 $0x3400;
	s4 =	sadd.s32 @!p0 s1, s4  }
0xb4: {  	[tilespmem:s15], [sflag:$0x1] =	stream.strided.gather @!p0 [hbm4b:s4+s5], $0x1000, s7, s5, $0x38;
	[tilespmem:$0x11400] =	vst v63  }
0xb5: {  	s4 =	sadd.s32 @!p0 s2, s13;
	s15 =	simm.s32 @!p0 $0x4400  }
0xb6: {  	[tilespmem:s15], [sflag:$0x1] =	stream.strided.gather @!p0 [hbm4b:s4+s5], $0x1000, s7, s5, $0x38;
	[tilespmem:$0x11400] =	vst v63  }
0xb7: {  	s4 =	sadd.s32 @!p0 $0x1400000, s0  }
0xb8: {  	s4 =	sshrl.u32 @!p0 s4, $0x3  }
0xb9: {  	s15 =	simm.s32 @!p0 $0x5400;
	s0 =	sadd.s32 @!p0 $0x1C00000, s0;
	s4 =	sadd.s32 @!p0 s1, s4  }
0xba: {  	[tilespmem:s15], [sflag:$0x1] =	stream.strided.gather @!p0 [hbm4b:s4+s5], $0x1000, s7, s5, $0x38;
	[tilespmem:$0x11400] =	vst v63  }
0xbb: {  	s2 =	sadd.s32 @!p0 s2, s14;
	s0 =	sshrl.u32 @!p0 s0, $0x3;
	s4 =	simm.s32 @!p0 $0x6400  }
0xbc: {  	[tilespmem:s4], [sflag:$0x1] =	stream.strided.gather @!p0 [hbm4b:s2+s5], $0x1000, s7, s5, $0x38;
	[tilespmem:$0x11400] =	vst v63  }
0xbd: {  	s0 =	sadd.s32 @!p0 s1, s0;
	s2 =	simm.s32 @!p0 $0x7400  }
0xbe: {  	[tilespmem:s2], [sflag:$0x1] =	stream.strided.gather @!p0 [hbm4b:s0+s5], $0x1000, s7, s5, $0x38;
	[tilespmem:$0x11400] =	vst v63  }
0xbf: {  	s16 =	simm.s32 $0x0;
	_ =	swait.ge [sflag:s30], $0x8000  }
0xc0: {  	s17 =	sand.u32 $0x70, s16;
	s0 =	sand.u32 $0xF00, s16;
	[sflag:s30] =	ssyncset.done $0x0  }
0xc1: {  	s16 =	sor.u32 s17, s0;
	[sflag:s30] =	ssyncadd.s32 $0xFFFF8000  }
0xc2: {  	v8 =	vld [tilespmem:s16+$0x8400]  }
0xc3: {  	v9 =	vld [tilespmem:s16+$0x9400];
	_ =	sdelay $0x1  }
0xc4: {  	v10 =	vld [tilespmem:s16+$0xA400];
	_ =	sdelay $0x1  }
0xc5: {  	s18 =	simm.s32 $0x10;
	s19 =	simm.s32 $0x20;
	v11 =	vld [tilespmem:s16+$0xB400]  }
0xc6: {  	s2 =	sand.u32 $0xF00, s19;
	s0 =	sand.u32 $0x70, s18;
	v12 =	vld [tilespmem:s16+$0xD400];
	v8 =	vmul.f32 v8, v0;
	v9 =	vmul.f32 v9, v1  }
0xc7: {  	s15 =	sor.u32 s0, s2;
	v13 =	vld [tilespmem:s16+$0xC400]  }
0xc8: {  	v14 =	vld [tilespmem:s15+$0x8400];
	v8 =	vadd.f32 v9, v8;
	v9 =	vmul.f32 v10, v2  }
0xc9: {  	v16 =	vld [tilespmem:s15+$0x9400]  }
0xca: {  	v18 =	vld [tilespmem:s16+$0xE400];
	v10 =	vmul.f32 v11, v3;
	v8 =	vadd.f32 v9, v8  }
0xcb: {  	v9 =	vld [tilespmem:s15+$0xA400]  }
0xcc: {  	v19 =	vmul.f32 v13, v4;
	v11 =	vld [tilespmem:s16+$0xF400];
	v17 =	vadd.f32 v10, v8  }
0xcd: {  	s23 =	simm.s32 $0x20;
	s18 =	simm.s32 $0x40;
	v15 =	vmul.f32 v12, v5;
	v10 =	vld [tilespmem:s15+$0xB400]  }
0xce: {  	s19 =	simm.s32 $0x30;
	s17 =	sand.u32 $0x70, s23;
	s31 =	sand.u32 $0xF00, s18;
	v13 =	vmul.f32 v14, v0;
	v14 =	vmul.f32 v16, v1;
	v12 =	vld [tilespmem:s15+$0xC400];
	v17 =	vadd.f32 v19, v17  }
0xcf: {  	s0 =	smov.u32 s16;
	s5 =	sor.u32 s17, s31;
	s7 =	smov.u32 s15;
	v16 =	vmul.f32 v18, v6;
	v8 =	vld [tilespmem:s15+$0xD400]  }
.LBB2_7:
0xd0: {  	p0 =	sne.s32 s19, $0x7F0;
	v18 =	vld [tilespmem:s5+$0x8400];
	v13 =	vadd.f32 v14, v13;
	v9 =	vmul.f32 v9, v2;
	v14 =	vadd.f32 v15, v17  }
0xd1: {  	v17 =	vld [tilespmem:s5+$0x9400];
	v15 =	vmul.f32 v11, v7  }
0xd2: {  	v11 =	vadd.f32 v9, v13;
	v10 =	vmul.f32 v10, v3;
	v19 =	vld [tilespmem:s7+$0xE400];
	v13 =	vadd.f32 v16, v14  }
.Ltmp2:
0xd3: {  	v9 =	vld [tilespmem:s5+$0xA400];
	(pc) =	sbr.rel @p0 .LBB2_7-.Ltmp2, $4  }
0xd4: {  	v16 =	vadd.f32 v10, v11;
	v12 =	vmul.f32 v12, v4;
	v11 =	vld [tilespmem:s7+$0xF400];
	v20 =	vadd.f32 v15, v13  }
0xd5: {  	s18 =	sadd.s32 $0x20, s18;
	v15 =	vmul.f32 v8, v5;
	v10 =	vld [tilespmem:s5+$0xB400]  }
0xd6: {  	s2 =	sand.u32 $0x70, s19;
	s4 =	sand.u32 $0xF00, s18;
	v13 =	vmul.f32 v18, v0;
	v14 =	vmul.f32 v17, v1;
	v8 =	vld [tilespmem:s5+$0xD400];
	v17 =	vadd.f32 v12, v16;
	[tilespmem:s0+$0x10400] =	vst v20;
	s0 =	smov.u32 s7  }
0xd7: {  	s19 =	sadd.s32 $0x10, s19;
	s7 =	smov.u32 s5;
	v12 =	vld [tilespmem:s5+$0xC400];
	v16 =	vmul.f32 v19, v6;
	s5 =	sor.u32 s2, s4  }
0xd8: {  	v18 =	vld [tilespmem:s5+$0x8400];
	v15 =	vadd.f32 v15, v17  }
0xd9: {  	v17 =	vld [tilespmem:s5+$0x9400]  }
0xda: {  	v19 =	vld [tilespmem:s7+$0xE400];
	v11 =	vmul.f32 v11, v7;
	v15 =	vadd.f32 v16, v15  }
0xdb: {  	v16 =	vld [tilespmem:s5+$0xA400]  }
0xdc: {  	v20 =	vld [tilespmem:s7+$0xF400];
	v11 =	vadd.f32 v11, v15  }
0xdd: {  	v15 =	vld [tilespmem:s5+$0xB400]  }
0xde: {  	v21 =	vld [tilespmem:s5+$0xD400];
	v17 =	vmul.f32 v17, v1;
	[tilespmem:s0+$0x10400] =	vst v11;
	v11 =	vmul.f32 v18, v0  }
0xdf: {  	v13 =	vadd.f32 v14, v13;
	v9 =	vmul.f32 v9, v2;
	v14 =	vld [tilespmem:s5+$0xC400]  }
0xe0: {  	v16 =	vmul.f32 v16, v2;
	v11 =	vadd.f32 v17, v11  }
0xe1: {  	v9 =	vadd.f32 v9, v13;
	v10 =	vmul.f32 v10, v3  }
0xe2: {  	v13 =	vmul.f32 v15, v3;
	v11 =	vadd.f32 v16, v11  }
0xe3: {  	v9 =	vadd.f32 v10, v9;
	v10 =	vmul.f32 v12, v4;
	v12 =	vld [tilespmem:s5+$0xE400]  }
0xe4: {  	v11 =	vadd.f32 v13, v11;
	v13 =	vmul.f32 v14, v4  }
0xe5: {  	v8 =	vmul.f32 v8, v5;
	v9 =	vadd.f32 v10, v9;
	v10 =	vld [tilespmem:s5+$0xF400]  }
0xe6: {  	v14 =	vmul.f32 v21, v5;
	v11 =	vadd.f32 v13, v11  }
0xe7: {  	v8 =	vadd.f32 v8, v9;
	v13 =	vmul.f32 v19, v6  }
0xe8: {  	v9 =	vmul.f32 v12, v6;
	v11 =	vadd.f32 v14, v11  }
0xe9: {  	v12 =	vmul.f32 v20, v7;
	v8 =	vadd.f32 v13, v8  }
0xea: {  	v10 =	vmul.f32 v10, v7;
	v9 =	vadd.f32 v9, v11  }
0xeb: {  	v8 =	vadd.f32 v12, v8  }
0xec: {  	v9 =	vadd.f32 v10, v9  }
0xed: {  	[tilespmem:s7+$0x10400] =	vst v8  }
0xee: {  	[tilespmem:s5+$0x10400] =	vst v9  }
0xef: {  	v8 =	vld [tilespmem:s16+$0x8480]  }
0xf0: {  	v9 =	vld [tilespmem:s16+$0x9480];
	_ =	sdelay $0x1  }
0xf1: {  	v10 =	vld [tilespmem:s16+$0xA480];
	_ =	sdelay $0x1  }
0xf2: {  	v11 =	vld [tilespmem:s16+$0xB480]  }
0xf3: {  	v12 =	vld [tilespmem:s16+$0xD480];
	v8 =	vmul.f32 v8, v0;
	v9 =	vmul.f32 v9, v1  }
0xf4: {  	v13 =	vld [tilespmem:s16+$0xC480]  }
0xf5: {  	v14 =	vld [tilespmem:s15+$0x8480];
	v8 =	vadd.f32 v9, v8;
	v9 =	vmul.f32 v10, v2  }
0xf6: {  	v16 =	vld [tilespmem:s15+$0x9480]  }
0xf7: {  	v18 =	vld [tilespmem:s16+$0xE480];
	v8 =	vadd.f32 v9, v8;
	v9 =	vmul.f32 v11, v3  }
0xf8: {  	v10 =	vld [tilespmem:s15+$0xA480]  }
0xf9: {  	v19 =	vmul.f32 v13, v4;
	v11 =	vld [tilespmem:s16+$0xF480];
	v17 =	vadd.f32 v9, v8  }
0xfa: {  	s0 =	simm.s32 $0x40;
	v15 =	vmul.f32 v12, v5;
	v9 =	vld [tilespmem:s15+$0xB480]  }
0xfb: {  	s2 =	sand.u32 $0xF00, s0;
	v13 =	vmul.f32 v14, v0;
	v14 =	vmul.f32 v16, v1;
	v12 =	vld [tilespmem:s15+$0xC480];
	v17 =	vadd.f32 v19, v17  }
0xfc: {  	s5 =	sor.u32 s17, s2;
	s2 =	simm.s32 $0x30;
	v16 =	vmul.f32 v18, v6;
	v8 =	vld [tilespmem:s15+$0xD480]  }
.LBB2_9:
0xfd: {  	p0 =	sne.s32 s2, $0x7F0;
	v18 =	vld [tilespmem:s5+$0x8480];
	v13 =	vadd.f32 v14, v13;
	v10 =	vmul.f32 v10, v2;
	v14 =	vadd.f32 v15, v17  }
0xfe: {  	v17 =	vld [tilespmem:s5+$0x9480];
	v15 =	vmul.f32 v11, v7  }
0xff: {  	v11 =	vadd.f32 v10, v13;
	v9 =	vmul.f32 v9, v3;
	v19 =	vld [tilespmem:s15+$0xE480];
	v13 =	vadd.f32 v16, v14  }
.Ltmp3:
0x100: {  	v10 =	vld [tilespmem:s5+$0xA480];
	(pc) =	sbr.rel @p0 .LBB2_9-.Ltmp3, $4  }
0x101: {  	v16 =	vadd.f32 v9, v11;
	v12 =	vmul.f32 v12, v4;
	v11 =	vld [tilespmem:s15+$0xF480];
	v20 =	vadd.f32 v15, v13  }
0x102: {  	s0 =	sadd.s32 $0x20, s0;
	v15 =	vmul.f32 v8, v5;
	v9 =	vld [tilespmem:s5+$0xB480]  }
0x103: {  	s4 =	sand.u32 $0x70, s2;
	s7 =	sand.u32 $0xF00, s0;
	v13 =	vmul.f32 v18, v0;
	v14 =	vmul.f32 v17, v1;
	v8 =	vld [tilespmem:s5+$0xD480];
	v17 =	vadd.f32 v12, v16;
	[tilespmem:s16+$0x10480] =	vst v20;
	s16 =	smov.u32 s15  }
0x104: {  	s2 =	sadd.s32 $0x10, s2;
	s15 =	smov.u32 s5;
	v12 =	vld [tilespmem:s5+$0xC480];
	v16 =	vmul.f32 v19, v6;
	s5 =	sor.u32 s4, s7  }
0x105: {  	v18 =	vld [tilespmem:s5+$0x8480];
	v15 =	vadd.f32 v15, v17  }
0x106: {  	v50 =	vld [tilespmem:s5+$0x9480]  }
0x107: {  	v19 =	vld [tilespmem:s15+$0xE480];
	v11 =	vmul.f32 v11, v7;
	v15 =	vadd.f32 v16, v15  }
0x108: {  	v51 =	vld [tilespmem:s5+$0xA480]  }
0x109: {  	v20 =	vld [tilespmem:s15+$0xF480];
	v11 =	vadd.f32 v11, v15  }
0x10a: {  	v52 =	vld [tilespmem:s5+$0xB480]  }
0x10b: {  	v21 =	vld [tilespmem:s5+$0xD480];
	v53 =	vmul.f32 v18, v0;
	v17 =	vmul.f32 v50, v1;
	[tilespmem:s16+$0x10480] =	vst v11  }
0x10c: {  	v13 =	vadd.f32 v14, v13;
	v10 =	vmul.f32 v10, v2;
	v54 =	vld [tilespmem:s5+$0xC480]  }
0x10d: {  	v16 =	vmul.f32 v51, v2;
	v11 =	vadd.f32 v17, v53  }
0x10e: {  	v10 =	vadd.f32 v10, v13;
	v9 =	vmul.f32 v9, v3  }
0x10f: {  	v55 =	vmul.f32 v52, v3;
	v11 =	vadd.f32 v16, v11  }
0x110: {  	v9 =	vadd.f32 v9, v10;
	v56 =	vmul.f32 v12, v4;
	v57 =	vld [tilespmem:s5+$0xE480]  }
0x111: {  	v11 =	vadd.f32 v55, v11;
	v58 =	vmul.f32 v54, v4  }
0x112: {  	v8 =	vmul.f32 v8, v5;
	v9 =	vadd.f32 v56, v9;
	v59 =	vld [tilespmem:s5+$0xF480]  }
0x113: {  	v60 =	vmul.f32 v21, v5;
	v11 =	vadd.f32 v58, v11  }
0x114: {  	v61 =	vmul.f32 v19, v6;
	v8 =	vadd.f32 v8, v9  }
0x115: {  	v62 =	vmul.f32 v57, v6;
	v11 =	vadd.f32 v60, v11  }
0x116: {  	v63 =	vmul.f32 v20, v7;
	v8 =	vadd.f32 v61, v8  }
0x117: {  	v10 =	vmul.f32 v59, v7;
	v9 =	vadd.f32 v62, v11  }
0x118: {  	v8 =	vadd.f32 v63, v8  }
0x119: {  	s0 =	sshll.u32 s11, $0x5;
	s10 =	sadd.s32 $0x1, s10;
	v9 =	vadd.f32 v10, v9  }
0x11a: {  	s2 =	sadd.s32 s3, s12;
	s0 =	sand.u32 $0x60, s0;
	p0 =	sne.s32 s10, $0x10;
	[tilespmem:s15+$0x10480] =	vst v8  }
.Ltmp4:
0x11b: {  	s0 =	sadd.s32 s0, s2;
	[tilespmem:s5+$0x10480] =	vst v9;
	(pc) =	sbr.rel @p0 .LBB2_2-.Ltmp4, $4  }
0x11c: {  	[hbm4b:s0+s21] =	stream.strided.scatter [tilespmem:s29], [sflag:$0x3], $0x1000, s22, s21, $0x38;
	[tilespmem:$0x11400] =	vst v63  }
0x11d: {  	_ =	swait.ge [sflag:s20], $0x1000  }
0x11e: {  	[sflag:s20] =	ssyncset.done $0x0  }
0x11f: {  	[sflag:s20] =	ssyncadd.s32 $0xFFFFF000  }
0x120: {  	s2 =	rddreg [dreg:$0xe]  }
0x121: {  	s0 =	rddreg [dreg:$0xd];
	s2 =	sadd.s32 $0x1, s2  }
0x122: {  	p0 =	sne.s32 s2, s0  }
.Ltmp5:
0x123: {  	_ = 	snop;
	(pc) =	sbr.rel @p0 .LBB2_1-.Ltmp5, $1  }
0x124: {  	_ =	sdelay $0x3  }
0x125: {  	_ =	sfence.sel $0x180000  }
0x126: {  	[bflag:$0x0] =	sbarrier.arrive $0xFFFF  }
0x127: {  	_ =	strace $0x90000047  }
0x128: {  	s0 =	stileid.u32;
	[bflag:$0x2] =	sbarrier.arrive $0xFFFF  }
0x129: {  	p0 =	sne.s32 s0, $0x0;
	s0 =	rddreg [dreg:$0x3]  }
0x12a: {  	s0 =	sadd.s32 @!p0 $0x100000, s0  }
0x12b: {  	[sflag:s0] =	ssyncadd.tile.s32 @!p0 $0x1;
	_ =	shalt  }
.Lfunc_end2:
_tile_overlayer_lowered:
.L_overlay_start_2:
0x12c: {  	(tag) =	ssettag $0x2  }
0x12d: {  	s0 =	rddreg [dreg:$0x0];
	s2 =	stileid.u32  }
0x12e: {  	s1 =	rddreg [dreg:$0x1];
	p0 =	sne.s32 s2, $0x0  }
0x12f: {  	s3 =	rddreg [dreg:$0x2];
	[bflag:$0x3] =	sbarrier.arrive $0xFFFF;
	s2 =	simm.s32 @!p0 $0x1C03  }
0x130: {  	[timem:s3], [sflag:s2] =	dma.local @!p0 [hbm:s0], s1  }
0x131: {  	s0 =	simm.s32 @!p0 $0x3  }
0x132: {  	_ =	swait.ge @!p0 [sflag:s0], s1  }
0x133: {  	s1 =	ssub.s32 @!p0 $0x0, s1;
	[sflag:s0] =	ssyncset.done @!p0 $0x0  }
0x134: {  	[sflag:s0] =	ssyncadd.s32 @!p0 s1  }
0x135: {  	[bflag:$0x3] =	sbarrier.arrive $0xFFFF  }
0x136: {  	_ =	shalt  }

</sc_bundles>
